<compile_context>
chip_gen: v7x
topology: tpu7x:2x2x1
jax: 0.10.2.dev20260603
libtpu: 0.0.44.dev20260713+nightly
codegen_flags: <defaults>
</compile_context>

<pallas_src>
import dataclasses
import functools

import jax
import jax.numpy as jnp
from jax import lax
from jax.experimental import pallas as pl
from jax.experimental.pallas import tpu as pltpu
from jax.experimental.pallas import tpu_sc as plsc

HIDDEN = 768
NUM_EXPERTS = 8
TOP_K = 2
DFF = 1024
TOKENS = 2048
EPS = 1e-06

BT = 256
NB = 24
NS = NB * BT
NWORK = 32
SLOTS_PER_W = NS // NWORK
GCH = 48
NCH = SLOTS_PER_W // GCH


def _cumsum0(x):
    c = x
    s = 1
    while s < x.shape[0]:
        z = jnp.zeros((s, x.shape[1]), x.dtype)
        c = c + jnp.concatenate([z, c[:-s, :]], axis=0)
        s *= 2
    return c


def _lane_cumsum(x):
    c = x
    s = 1
    while s < x.shape[1]:
        z = jnp.zeros((x.shape[0], s), x.dtype)
        c = c + jnp.concatenate([z, c[:, :-s]], axis=1)
        s *= 2
    return c


def _router_body(rin_ref, rscale_ref, rproj_ref, pes_ref,
                 dest_ref, wts_ref, b2e_ref):
    x = rin_ref[...]
    var = jnp.mean(jnp.square(x), axis=-1, keepdims=True)
    x = x * lax.rsqrt(var + EPS)
    x = x * rscale_ref[...] * (HIDDEN ** -0.5)
    logits = jnp.dot(
        x.astype(jnp.bfloat16),
        rproj_ref[...].astype(jnp.bfloat16),
        preferred_element_type=jnp.float32,
    )
    probs = jax.nn.softmax(logits, axis=-1)

    iota = lax.broadcasted_iota(jnp.int32, probs.shape, 1)
    m1 = jnp.max(probs, axis=-1, keepdims=True)
    a1 = jnp.min(jnp.where(probs == m1, iota, NUM_EXPERTS), axis=-1,
                 keepdims=True)
    one1 = (iota == a1).astype(jnp.float32)
    probs2 = jnp.where(one1 > 0, -jnp.inf, probs)
    m2 = jnp.max(probs2, axis=-1, keepdims=True)
    a2 = jnp.min(jnp.where(probs2 == m2, iota, NUM_EXPERTS), axis=-1,
                 keepdims=True)
    one2 = (iota == a2).astype(jnp.float32)

    denom = m1 + m2 + 1e-20
    pes = pes_ref[...]
    w1t = (m1 / denom) * jnp.sum(one1 * pes, axis=-1, keepdims=True)
    w2t = (m2 / denom) * jnp.sum(one2 * pes, axis=-1, keepdims=True)

    ind = one1 + one2
    cum = _cumsum0(ind)
    rank_excl = cum - ind
    counts = cum[TOKENS - 1:TOKENS, :]
    counts_i = counts.astype(jnp.int32)
    padded = ((counts_i + (BT - 1)) // BT) * BT
    ends = _lane_cumsum(padded)
    offs = (ends - padded).astype(jnp.float32)

    slot = offs + rank_excl
    d1 = jnp.sum(one1 * slot, axis=-1, keepdims=True)
    d2 = jnp.sum(one2 * slot, axis=-1, keepdims=True)
    dest_ref[...] = jnp.concatenate([d1, d2], axis=1).astype(jnp.int32)
    wts_ref[...] = jnp.concatenate([w1t, w2t], axis=1)

    lane8 = lax.broadcasted_iota(jnp.int32, (1, NUM_EXPERTS), 1)
    last_e = jnp.max(jnp.where(padded > 0, lane8, 0))
    nact = ends[0, NUM_EXPERTS - 1] // BT
    biota = lax.broadcasted_iota(jnp.int32, (1, 32), 1)
    acc = jnp.zeros((1, 32), jnp.int32)
    for e in range(NUM_EXPERTS):
        acc = acc + (biota * BT >= ends[0, e]).astype(jnp.int32)
    b2e = jnp.minimum(acc, last_e)
    b2e_ref[...] = jnp.where(biota == NB, nact, b2e)


def _dispatch_body(dflat_ref, wflat_ref, x_ref, xs_ref, ws_ref,
                   dv, wv, sids, wsv, rows0, rows1, sem0, sem1):
    wid = lax.axis_index("s") * 2 + lax.axis_index("c")
    base = wid * SLOTS_PER_W
    pltpu.sync_copy(dflat_ref, dv)
    pltpu.sync_copy(wflat_ref, wv)

    zi = jnp.zeros((16,), jnp.int32)
    zf = jnp.zeros((16,), jnp.float32)

    @pl.loop(0, SLOTS_PER_W, step=16)
    def _(i):
        sids[pl.ds(i, 16)] = zi
        wsv[pl.ds(i, 16)] = zf

    i16 = lax.iota(jnp.int32, 16)

    @pl.loop(0, TOP_K * TOKENS, step=16)
    def _(i):
        idx = dv[pl.ds(i, 16)]
        rel = idx - base
        m = (rel >= 0) & (rel < SLOTS_PER_W)
        relc = jnp.where(m, rel, 0)
        tval = lax.shift_right_logical(i16 + i, 1)
        w = wv[pl.ds(i, 16)]
        plsc.store_scatter(sids, [relc], tval, mask=m)
        plsc.store_scatter(wsv, [relc], w, mask=m)

    bufs = (rows0, rows1)
    sems = (sem0, sem1)
    cps = [None] * NCH
    for c in range(min(2, NCH)):
        cps[c] = pltpu.async_copy(
            x_ref.at[sids.at[pl.ds(c * GCH, GCH)]], bufs[c % 2], sems[c % 2])
    for c in range(NCH):
        cps[c].wait()
        pltpu.sync_copy(bufs[c % 2], xs_ref.at[pl.ds(base + c * GCH, GCH)])
        nxt = c + 2
        if nxt < NCH:
            cps[nxt] = pltpu.async_copy(
                x_ref.at[sids.at[pl.ds(nxt * GCH, GCH)]],
                bufs[nxt % 2], sems[nxt % 2])

    pltpu.sync_copy(wsv, ws_ref.at[pl.ds(base, SLOTS_PER_W)])


def _expert_body(b2e_ref, xs_ref, ws_ref, w1_ref, w3_ref, w2_ref, ys_ref):
    b = pl.program_id(0)
    nact = b2e_ref[NB]

    @pl.when(b < nact)
    def _():
        x = xs_ref[...].astype(jnp.bfloat16)
        g = jnp.dot(x, w1_ref[0].astype(jnp.bfloat16),
                    preferred_element_type=jnp.float32).astype(jnp.bfloat16)
        u = jnp.dot(x, w3_ref[0].astype(jnp.bfloat16),
                    preferred_element_type=jnp.float32).astype(jnp.bfloat16)
        h = jax.nn.gelu(g) * u
        y = jnp.dot(h, w2_ref[0].astype(jnp.bfloat16),
                    preferred_element_type=jnp.float32)
        ys_ref[...] = y * ws_ref[0]


def _gather_body(ys_ref, dflat_ref, g_ref, didx, rows, sem):
    wid = lax.axis_index("s") * 2 + lax.axis_index("c")
    n = (TOP_K * TOKENS) // NWORK
    base = wid * n
    pltpu.sync_copy(dflat_ref.at[pl.ds(base, n)], didx)
    pltpu.async_copy(ys_ref.at[didx], rows, sem).wait()
    pltpu.sync_copy(rows, g_ref.at[pl.ds(base, n)])


def _combine_body(g2_ref, out_ref):
    out_ref[...] = g2_ref[:, :HIDDEN] + g2_ref[:, HIDDEN:]


@jax.jit
def kernel(hidden_states, router_input, router_scale, router_proj,
           per_expert_scale, w1, w2, w3):
    T, H = hidden_states.shape
    E = NUM_EXPERTS

    dest2, wts2, b2e = pl.pallas_call(
        _router_body,
        out_shape=[
            jax.ShapeDtypeStruct((T, TOP_K), jnp.int32),
            jax.ShapeDtypeStruct((T, TOP_K), jnp.float32),
            jax.ShapeDtypeStruct((1, 32), jnp.int32),
        ],
        in_specs=[
            pl.BlockSpec((T, H), lambda: (0, 0)),
            pl.BlockSpec((1, H), lambda: (0, 0)),
            pl.BlockSpec((H, E), lambda: (0, 0)),
            pl.BlockSpec((1, E), lambda: (0, 0)),
        ],
        out_specs=[
            pl.BlockSpec((T, TOP_K), lambda: (0, 0)),
            pl.BlockSpec((T, TOP_K), lambda: (0, 0)),
            pl.BlockSpec((1, 32), lambda: (0, 0)),
        ],
    )(router_input, router_scale.reshape(1, H), router_proj,
      per_expert_scale.reshape(1, E))

    dflat = dest2.reshape(TOP_K * T)
    wflat = wts2.reshape(TOP_K * T)

    mesh = plsc.VectorSubcoreMesh(core_axis_name="c", subcore_axis_name="s")
    sc_params = pltpu.CompilerParams()
    if "needs_layout_passes" in pltpu.CompilerParams.__dataclass_fields__:
        sc_params = dataclasses.replace(sc_params, needs_layout_passes=False)

    @functools.partial(
        pl.kernel,
        mesh=mesh,
        out_type=[
            jax.ShapeDtypeStruct((NS, H), jnp.float32),
            jax.ShapeDtypeStruct((NS,), jnp.float32),
        ],
        scratch_types=[
            pltpu.VMEM((TOP_K * T,), jnp.int32),
            pltpu.VMEM((TOP_K * T,), jnp.float32),
            pltpu.VMEM((SLOTS_PER_W,), jnp.int32),
            pltpu.VMEM((SLOTS_PER_W,), jnp.float32),
            pltpu.VMEM((GCH, H), jnp.float32),
            pltpu.VMEM((GCH, H), jnp.float32),
            pltpu.SemaphoreType.DMA,
            pltpu.SemaphoreType.DMA,
        ],
        compiler_params=sc_params,
    )
    def _dispatch(dflat_ref, wflat_ref, x_ref, xs_ref, ws_ref,
                  dv, wv, sids, wsv, rows0, rows1, sem0, sem1):
        _dispatch_body(dflat_ref, wflat_ref, x_ref, xs_ref, ws_ref,
                       dv, wv, sids, wsv, rows0, rows1, sem0, sem1)

    xs, ws = _dispatch(dflat, wflat, hidden_states)
    ws3 = ws.reshape(NB, BT, 1)

    ys = pl.pallas_call(
        _expert_body,
        grid_spec=pltpu.PrefetchScalarGridSpec(
            num_scalar_prefetch=1,
            grid=(NB,),
            in_specs=[
                pl.BlockSpec((BT, H), lambda b, b2e: (b, 0)),
                pl.BlockSpec((1, BT, 1), lambda b, b2e: (b, 0, 0)),
                pl.BlockSpec((1, H, DFF), lambda b, b2e: (b2e[b], 0, 0)),
                pl.BlockSpec((1, H, DFF), lambda b, b2e: (b2e[b], 0, 0)),
                pl.BlockSpec((1, DFF, H), lambda b, b2e: (b2e[b], 0, 0)),
            ],
            out_specs=pl.BlockSpec((BT, H), lambda b, b2e: (b, 0)),
        ),
        out_shape=jax.ShapeDtypeStruct((NS, H), jnp.float32),
        compiler_params=pltpu.CompilerParams(
            dimension_semantics=("arbitrary",),
        ),
    )(b2e.reshape(32), xs, ws3, w1, w3, w2)

    @functools.partial(
        pl.kernel,
        mesh=mesh,
        out_type=jax.ShapeDtypeStruct((TOP_K * T, H), jnp.float32),
        scratch_types=[
            pltpu.VMEM(((TOP_K * T) // NWORK,), jnp.int32),
            pltpu.VMEM(((TOP_K * T) // NWORK, H), jnp.float32),
            pltpu.SemaphoreType.DMA,
        ],
        compiler_params=sc_params,
    )
    def _gather(ys_ref, dflat_ref, g_ref, didx, rows, sem):
        _gather_body(ys_ref, dflat_ref, g_ref, didx, rows, sem)

    g = _gather(ys, dflat)
    g2 = g.reshape(T, TOP_K * H)

    out = pl.pallas_call(
        _combine_body,
        grid=(4,),
        in_specs=[pl.BlockSpec((T // 4, TOP_K * H), lambda i: (i, 0))],
        out_specs=pl.BlockSpec((T // 4, H), lambda i: (i, 0)),
        out_shape=jax.ShapeDtypeStruct((T, H), jnp.float32),
    )(g2)
    return out

# --- scband reference (transcript-rebuilt; emitter-appended) ---
"""Pipeline reference for scband-gemma4-mo-e-38019050504858 (READ-ONLY COPY).

The authoritative reference and input builder live on the scoring server;
editing this copy changes nothing except your own understanding.
"""

import jax, jax.numpy as jnp
import numpy as np

HIDDEN = 768
NUM_EXPERTS = 8
TOP_K = 2
DFF = 1024
TOKENS = 2048
EPS = 1e-06


def setup_inputs(seed: int = 0) -> dict:
    key = jax.random.key(seed)
    ks = jax.random.split(key, 8)
    hidden_states = jax.random.normal(ks[0], (TOKENS, HIDDEN), dtype=jnp.float32)
    router_input = jax.random.normal(ks[1], (TOKENS, HIDDEN), dtype=jnp.float32)
    router_scale = jnp.ones((HIDDEN,), dtype=jnp.float32)
    router_proj = jax.random.normal(ks[2], (HIDDEN, NUM_EXPERTS), dtype=jnp.float32) * (HIDDEN ** -0.5)
    per_expert_scale = jnp.ones((NUM_EXPERTS,), dtype=jnp.float32)
    w1 = jax.random.normal(ks[3], (NUM_EXPERTS, HIDDEN, DFF), dtype=jnp.float32) * 0.02
    w3 = jax.random.normal(ks[4], (NUM_EXPERTS, HIDDEN, DFF), dtype=jnp.float32) * 0.02
    w2 = jax.random.normal(ks[5], (NUM_EXPERTS, DFF, HIDDEN), dtype=jnp.float32) * 0.02
    return {
        "hidden_states": hidden_states,
        "router_input": router_input,
        "router_scale": router_scale,
        "router_proj": router_proj,
        "per_expert_scale": per_expert_scale,
        "w1": w1,
        "w2": w2,
        "w3": w3,
    }


def reference(hidden_states, router_input, router_scale, router_proj, per_expert_scale, w1, w2, w3):
    # --- Gemma4Router: RMSNorm (no weight) -> scale * hidden^{-0.5} -> proj ---
    var = jnp.mean(jnp.square(router_input), axis=-1, keepdims=True)
    x = router_input * jax.lax.rsqrt(var + EPS)
    x = x * router_scale * (HIDDEN ** -0.5)
    router_logits = x @ router_proj  # [T, E]

    # --- Gemma4MoeRoutingMethod: softmax -> topk -> renormalize -> per_expert_scale ---
    router_probs = jax.nn.softmax(router_logits.astype(jnp.float32), axis=-1)
    topk_weights, topk_indices = jax.lax.top_k(router_probs, TOP_K)
    topk_weights = topk_weights / (jnp.sum(topk_weights, axis=-1, keepdims=True) + 1e-20)
    expert_scales = per_expert_scale[topk_indices].astype(topk_weights.dtype)
    topk_weights = topk_weights * expert_scales

    # --- Fused experts (Geglu), combine weighted expert outputs (reduce_results=True) ---
    T = hidden_states.shape[0]
    combine = jnp.zeros((T, NUM_EXPERTS), dtype=topk_weights.dtype)
    combine = combine.at[jnp.arange(T)[:, None], topk_indices].add(topk_weights)

    out = jnp.zeros_like(hidden_states)
    for e in range(NUM_EXPERTS):
        gate = jax.nn.gelu(hidden_states @ w1[e])
        up = hidden_states @ w3[e]
        expert_out = (gate * up) @ w2[e]
        out = out + combine[:, e:e + 1] * expert_out
    return out

if __name__ == "__main__":
    import jax
    _d = setup_inputs()
    print(jax.jit(kernel)(*tuple(_d.values())))

</pallas_src>

<mosaic_0001>
#map = affine_map<(d0, d1) -> (0, 0)>
#map1 = affine_map<(d0, d1) -> (0)>
module attributes {stable_mosaic.version = 14 : i64} {
  func.func @_gather(%arg0: i32, %arg1: i32, %arg2: memref<6144x768xf32, #tpu.memory_space<hbm>>, %arg3: memref<4096xi32, #tpu.memory_space<hbm>>, %arg4: memref<4096x768xf32, #tpu.memory_space<hbm>>, %arg5: memref<128xi32, #tpu.memory_space<vmem>>, %arg6: memref<128x768xf32, #tpu.memory_space<vmem>>, %arg7: memref<!tpu.dma_semaphore, #tpu.memory_space<semaphore_mem>>) attributes {dimension_semantics = [#tpu.dimension_semantics<core_parallel>, #tpu.dimension_semantics<subcore_parallel>], iteration_bounds = array<i64: 2, 16>, scalar_prefetch = 0 : i64, scratch_operands = 3 : i64, tpu.core_type = #tpu.core_type<sc_vector_subcore>, window_params = [{transform_indices = #map}, {transform_indices = #map1}, {transform_indices = #map}]} {
    %mul3A = arith.constant 2 : i32
    %mul3A_0 = arith.muli %arg1, %mul3A : i32
    %add3A = arith.addi %mul3A_0, %arg0 : i32
    %mul3A_1 = arith.constant 128 : i32
    %mul3A_2 = arith.muli %add3A, %mul3A_1 : i32
    "tpu.region"() ({
      %run_scoped3A = tpu.sem_alloc : memref<!tpu.dma_semaphore, #tpu.memory_space<semaphore_mem>>
      %dma_start3A_7 = tpu.memref_slice %arg3[%mul3A_2] : memref<4096xi32, #tpu.memory_space<hbm>> -> memref<128xi32, #tpu.memory_space<hbm>>
      %dma_start3A_8 = tpu.memref_slice %arg3[%mul3A_2] : memref<4096xi32, #tpu.memory_space<hbm>> -> memref<128xi32, #tpu.memory_space<hbm>>
      tpu.enqueue_dma source(%dma_start3A_8 : memref<128xi32, #tpu.memory_space<hbm>>) target(%arg5 : memref<128xi32, #tpu.memory_space<vmem>>) target_semaphore(%run_scoped3A : memref<!tpu.dma_semaphore, #tpu.memory_space<semaphore_mem>>)
      %dma_wait3A_9 = tpu.memref_slice %arg3[%mul3A_2] : memref<4096xi32, #tpu.memory_space<hbm>> -> memref<128xi32, #tpu.memory_space<hbm>>
      %dma_wait3A_10 = tpu.memref_slice %arg3[%mul3A_2] : memref<4096xi32, #tpu.memory_space<hbm>> -> memref<128xi32, #tpu.memory_space<hbm>>
      tpu.wait_dma2 semaphore(%run_scoped3A : memref<!tpu.dma_semaphore, #tpu.memory_space<semaphore_mem>>) src(%dma_wait3A_10 : memref<128xi32, #tpu.memory_space<hbm>>) dst(%arg5 : memref<128xi32, #tpu.memory_space<vmem>>)
      tpu.yield
    }) : () -> ()
    %dma_start3A = arith.constant 0 : i32
    %dma_start3A_3 = arith.constant 0 : i32
    %dma_start3A_4 = tpu.memref_slice %arg2[%dma_start3A, %dma_start3A_3] : memref<6144x768xf32, #tpu.memory_space<hbm>> -> memref<6144x768xf32, #tpu.memory_space<hbm>>
    tpu.enqueue_indirect_dma source(%dma_start3A_4 : memref<6144x768xf32, #tpu.memory_space<hbm>>) target(%arg6 : memref<128x768xf32, #tpu.memory_space<vmem>>) offsets(%arg5 : memref<128xi32, #tpu.memory_space<vmem>>) semaphore(%arg7 : memref<!tpu.dma_semaphore, #tpu.memory_space<semaphore_mem>>)
    %dma_wait3A = arith.constant 0 : i32
    %dma_wait3A_5 = arith.constant 0 : i32
    %dma_wait3A_6 = tpu.memref_slice %arg2[%dma_wait3A, %dma_wait3A_5] : memref<6144x768xf32, #tpu.memory_space<hbm>> -> memref<6144x768xf32, #tpu.memory_space<hbm>>
    tpu.wait_indirect_dma semaphore(%arg7 : memref<!tpu.dma_semaphore, #tpu.memory_space<semaphore_mem>>) src(%dma_wait3A_6 : memref<6144x768xf32, #tpu.memory_space<hbm>>) dst(%arg6 : memref<128x768xf32, #tpu.memory_space<vmem>>)
    "tpu.region"() ({
      %run_scoped3A = tpu.sem_alloc : memref<!tpu.dma_semaphore, #tpu.memory_space<semaphore_mem>>
      %dma_start3A_7 = arith.constant 0 : i32
      %dma_start3A_8 = tpu.memref_slice %arg4[%mul3A_2, %dma_start3A_7] : memref<4096x768xf32, #tpu.memory_space<hbm>> -> memref<128x768xf32, #tpu.memory_space<hbm>>
      %dma_start3A_9 = arith.constant 0 : i32
      %dma_start3A_10 = tpu.memref_slice %arg4[%mul3A_2, %dma_start3A_9] : memref<4096x768xf32, #tpu.memory_space<hbm>> -> memref<128x768xf32, #tpu.memory_space<hbm>>
      tpu.enqueue_dma source(%arg6 : memref<128x768xf32, #tpu.memory_space<vmem>>) target(%dma_start3A_10 : memref<128x768xf32, #tpu.memory_space<hbm>>) target_semaphore(%run_scoped3A : memref<!tpu.dma_semaphore, #tpu.memory_space<semaphore_mem>>)
      %dma_wait3A_11 = arith.constant 0 : i32
      %dma_wait3A_12 = tpu.memref_slice %arg4[%mul3A_2, %dma_wait3A_11] : memref<4096x768xf32, #tpu.memory_space<hbm>> -> memref<128x768xf32, #tpu.memory_space<hbm>>
      %dma_wait3A_13 = arith.constant 0 : i32
      %dma_wait3A_14 = tpu.memref_slice %arg4[%mul3A_2, %dma_wait3A_13] : memref<4096x768xf32, #tpu.memory_space<hbm>> -> memref<128x768xf32, #tpu.memory_space<hbm>>
      tpu.wait_dma2 semaphore(%run_scoped3A : memref<!tpu.dma_semaphore, #tpu.memory_space<semaphore_mem>>) src(%arg6 : memref<128x768xf32, #tpu.memory_space<vmem>>) dst(%dma_wait3A_14 : memref<128x768xf32, #tpu.memory_space<hbm>>)
      tpu.yield
    }) : () -> ()
    return
  }
}

#map = affine_map<(d0, d1) -> (0)>
#map1 = affine_map<(d0, d1) -> (0, 0)>
module attributes {stable_mosaic.version = 14 : i64} {
  func.func @_dispatch(%arg0: i32, %arg1: i32, %arg2: memref<4096xi32, #tpu.memory_space<hbm>>, %arg3: memref<4096xf32, #tpu.memory_space<hbm>>, %arg4: memref<2048x768xf32, #tpu.memory_space<hbm>>, %arg5: memref<6144x768xf32, #tpu.memory_space<hbm>>, %arg6: memref<6144xf32, #tpu.memory_space<hbm>>, %arg7: memref<4096xi32, #tpu.memory_space<vmem>>, %arg8: memref<4096xf32, #tpu.memory_space<vmem>>, %arg9: memref<192xi32, #tpu.memory_space<vmem>>, %arg10: memref<192xf32, #tpu.memory_space<vmem>>, %arg11: memref<48x768xf32, #tpu.memory_space<vmem>>, %arg12: memref<48x768xf32, #tpu.memory_space<vmem>>, %arg13: memref<!tpu.dma_semaphore, #tpu.memory_space<semaphore_mem>>, %arg14: memref<!tpu.dma_semaphore, #tpu.memory_space<semaphore_mem>>) attributes {dimension_semantics = [#tpu.dimension_semantics<core_parallel>, #tpu.dimension_semantics<subcore_parallel>], iteration_bounds = array<i64: 2, 16>, scalar_prefetch = 0 : i64, scratch_operands = 8 : i64, tpu.core_type = #tpu.core_type<sc_vector_subcore>, window_params = [{transform_indices = #map}, {transform_indices = #map}, {transform_indices = #map1}, {transform_indices = #map1}, {transform_indices = #map}]} {
    %mul3A = arith.constant 2 : i32
    %mul3A_0 = arith.muli %arg1, %mul3A : i32
    %add3A = arith.addi %mul3A_0, %arg0 : i32
    %mul3A_1 = arith.constant 192 : i32
    %mul3A_2 = arith.muli %add3A, %mul3A_1 : i32
    "tpu.region"() ({
      %run_scoped3A = tpu.sem_alloc : memref<!tpu.dma_semaphore, #tpu.memory_space<semaphore_mem>>
      tpu.enqueue_dma source(%arg2 : memref<4096xi32, #tpu.memory_space<hbm>>) target(%arg7 : memref<4096xi32, #tpu.memory_space<vmem>>) target_semaphore(%run_scoped3A : memref<!tpu.dma_semaphore, #tpu.memory_space<semaphore_mem>>)
      tpu.wait_dma2 semaphore(%run_scoped3A : memref<!tpu.dma_semaphore, #tpu.memory_space<semaphore_mem>>) src(%arg2 : memref<4096xi32, #tpu.memory_space<hbm>>) dst(%arg7 : memref<4096xi32, #tpu.memory_space<vmem>>)
      tpu.yield
    }) : () -> ()
    "tpu.region"() ({
      %run_scoped3A = tpu.sem_alloc : memref<!tpu.dma_semaphore, #tpu.memory_space<semaphore_mem>>
      tpu.enqueue_dma source(%arg3 : memref<4096xf32, #tpu.memory_space<hbm>>) target(%arg8 : memref<4096xf32, #tpu.memory_space<vmem>>) target_semaphore(%run_scoped3A : memref<!tpu.dma_semaphore, #tpu.memory_space<semaphore_mem>>)
      tpu.wait_dma2 semaphore(%run_scoped3A : memref<!tpu.dma_semaphore, #tpu.memory_space<semaphore_mem>>) src(%arg3 : memref<4096xf32, #tpu.memory_space<hbm>>) dst(%arg8 : memref<4096xf32, #tpu.memory_space<vmem>>)
      tpu.yield
    }) : () -> ()
    %broadcast_in_dim3A = arith.constant 0 : i32
    %broadcast_in_dim3A_3 = vector.broadcast %broadcast_in_dim3A : i32 to vector<16xi32>
    %broadcast_in_dim3A_4 = arith.constant 0.000000e+00 : f32
    %broadcast_in_dim3A_5 = vector.broadcast %broadcast_in_dim3A_4 : f32 to vector<16xf32>
    %scan3A = arith.constant 0 : i32
    %scan3A_6 = arith.constant 12 : i32
    %scan3A_7 = arith.addi %scan3A, %scan3A_6 : i32
    %scan3A_8 = arith.constant 1 : i32
    scf.for %scan3A_61 = %scan3A to %scan3A_7 step %scan3A_8  : i32 {
      %mul3A_62 = arith.constant 16 : i32
      %mul3A_63 = arith.muli %scan3A_61, %mul3A_62 : i32
      %add3A_64 = arith.constant 0 : i32
      %add3A_65 = arith.addi %add3A_64, %mul3A_63 : i32
      %swap3A = arith.index_cast %add3A_65 : i32 to index
      %swap3A_66 = tpu.vector_load %arg9[%swap3A] {strides = array<i32>} : memref<192xi32, #tpu.memory_space<vmem>>, vector<16xi32>,
      tpu.vector_store %arg9[%swap3A], %broadcast_in_dim3A_3 {strides = array<i32>} : memref<192xi32, #tpu.memory_space<vmem>>, vector<16xi32>,
      %swap3A_67 = arith.index_cast %add3A_65 : i32 to index
      %swap3A_68 = tpu.vector_load %arg10[%swap3A_67] {strides = array<i32>} : memref<192xf32, #tpu.memory_space<vmem>>, vector<16xf32>,
      tpu.vector_store %arg10[%swap3A_67], %broadcast_in_dim3A_5 {strides = array<i32>} : memref<192xf32, #tpu.memory_space<vmem>>, vector<16xf32>,
    }
    %scan3A_9 = arith.constant 12 : i32
    %iota3A = tpu.iota {dimensions = array<i32: 0>} : vector<16xi32>
    %scan3A_10 = arith.constant 0 : i32
    %scan3A_11 = arith.constant 256 : i32
    %scan3A_12 = arith.addi %scan3A_10, %scan3A_11 : i32
    %scan3A_13 = arith.constant 1 : i32
    scf.for %scan3A_61 = %scan3A_10 to %scan3A_12 step %scan3A_13  : i32 {
      %mul3A_62 = arith.constant 16 : i32
      %mul3A_63 = arith.muli %scan3A_61, %mul3A_62 : i32
      %add3A_64 = arith.constant 0 : i32
      %add3A_65 = arith.addi %add3A_64, %mul3A_63 : i32
      %get3A = arith.index_cast %add3A_65 : i32 to index
      %get3A_66 = tpu.vector_load %arg7[%get3A] {strides = array<i32>} : memref<4096xi32, #tpu.memory_space<vmem>>, vector<16xi32>,
      %sub3A = vector.broadcast %mul3A_2 : i32 to vector<16xi32>
      %sub3A_67 = arith.subi %get3A_66, %sub3A : vector<16xi32>
      %ge3A = arith.constant 0 : i32
      %ge3A_68 = vector.broadcast %ge3A : i32 to vector<16xi32>
      %ge3A_69 = arith.cmpi sge, %sub3A_67, %ge3A_68 : vector<16xi32>
      %lt3A = arith.constant 192 : i32
      %lt3A_70 = vector.broadcast %lt3A : i32 to vector<16xi32>
      %lt3A_71 = arith.cmpi slt, %sub3A_67, %lt3A_70 : vector<16xi32>
      %and3A = arith.andi %ge3A_69, %lt3A_71 : vector<16xi1>
      %jit3A = arith.constant 0 : i32
      %broadcast_in_dim3A_72 = vector.broadcast %jit3A : i32 to vector<16xi32>
      %select_n3A = arith.select %and3A, %sub3A_67, %broadcast_in_dim3A_72 : vector<16xi1>, vector<16xi32>
      %add3A_73 = vector.broadcast %add3A_65 : i32 to vector<16xi32>
      %add3A_74 = arith.addi %iota3A, %add3A_73 : vector<16xi32>
      %shift_right_logical3A = arith.constant 1 : i32
      %shift_right_logical3A_75 = vector.broadcast %shift_right_logical3A : i32 to vector<16xi32>
      %shift_right_logical3A_76 = arith.shrui %add3A_74, %shift_right_logical3A_75 : vector<16xi32>
      %get3A_77 = arith.index_cast %add3A_65 : i32 to index
      %get3A_78 = tpu.vector_load %arg8[%get3A_77] {strides = array<i32>} : memref<4096xf32, #tpu.memory_space<vmem>>, vector<16xf32>,
      tpu.vector_store_idx %arg9[%select_n3A], %shift_right_logical3A_76 masked %and3A : memref<192xi32, #tpu.memory_space<vmem>>[vector<16xi32>], vector<16xi32>, vector<16xi1>
      tpu.vector_store_idx %arg10[%select_n3A], %get3A_78 masked %and3A : memref<192xf32, #tpu.memory_space<vmem>>[vector<16xi32>], vector<16xf32>, vector<16xi1>
    }
    %scan3A_14 = arith.constant 256 : i32
    %dma_start3A = arith.constant 0 : i32
    %dma_start3A_15 = tpu.memref_slice %arg9[%dma_start3A] : memref<192xi32, #tpu.memory_space<vmem>> -> memref<48xi32, #tpu.memory_space<vmem>>
    %dma_start3A_16 = arith.constant 0 : i32
    %dma_start3A_17 = arith.constant 0 : i32
    %dma_start3A_18 = tpu.memref_slice %arg4[%dma_start3A_16, %dma_start3A_17] : memref<2048x768xf32, #tpu.memory_space<hbm>> -> memref<2048x768xf32, #tpu.memory_space<hbm>>
    tpu.enqueue_indirect_dma source(%dma_start3A_18 : memref<2048x768xf32, #tpu.memory_space<hbm>>) target(%arg11 : memref<48x768xf32, #tpu.memory_space<vmem>>) offsets(%dma_start3A_15 : memref<48xi32, #tpu.memory_space<vmem>>) semaphore(%arg13 : memref<!tpu.dma_semaphore, #tpu.memory_space<semaphore_mem>>)
    %dma_start3A_19 = arith.constant 48 : i32
    %dma_start3A_20 = tpu.memref_slice %arg9[%dma_start3A_19] : memref<192xi32, #tpu.memory_space<vmem>> -> memref<48xi32, #tpu.memory_space<vmem>>
    %dma_start3A_21 = arith.constant 0 : i32
    %dma_start3A_22 = arith.constant 0 : i32
    %dma_start3A_23 = tpu.memref_slice %arg4[%dma_start3A_21, %dma_start3A_22] : memref<2048x768xf32, #tpu.memory_space<hbm>> -> memref<2048x768xf32, #tpu.memory_space<hbm>>
    tpu.enqueue_indirect_dma source(%dma_start3A_23 : memref<2048x768xf32, #tpu.memory_space<hbm>>) target(%arg12 : memref<48x768xf32, #tpu.memory_space<vmem>>) offsets(%dma_start3A_20 : memref<48xi32, #tpu.memory_space<vmem>>) semaphore(%arg14 : memref<!tpu.dma_semaphore, #tpu.memory_space<semaphore_mem>>)
    %dma_wait3A = arith.constant 0 : i32
    %dma_wait3A_24 = tpu.memref_slice %arg9[%dma_wait3A] : memref<192xi32, #tpu.memory_space<vmem>> -> memref<48xi32, #tpu.memory_space<vmem>>
    %dma_wait3A_25 = arith.constant 0 : i32
    %dma_wait3A_26 = arith.constant 0 : i32
    %dma_wait3A_27 = tpu.memref_slice %arg4[%dma_wait3A_25, %dma_wait3A_26] : memref<2048x768xf32, #tpu.memory_space<hbm>> -> memref<2048x768xf32, #tpu.memory_space<hbm>>
    tpu.wait_indirect_dma semaphore(%arg13 : memref<!tpu.dma_semaphore, #tpu.memory_space<semaphore_mem>>) src(%dma_wait3A_27 : memref<2048x768xf32, #tpu.memory_space<hbm>>) dst(%arg11 : memref<48x768xf32, #tpu.memory_space<vmem>>)
    %add3A_28 = arith.constant 0 : i32
    %add3A_29 = arith.addi %mul3A_2, %add3A_28 : i32
    "tpu.region"() ({
      %run_scoped3A = tpu.sem_alloc : memref<!tpu.dma_semaphore, #tpu.memory_space<semaphore_mem>>
      %dma_start3A_61 = arith.constant 0 : i32
      %dma_start3A_62 = tpu.memref_slice %arg5[%add3A_29, %dma_start3A_61] : memref<6144x768xf32, #tpu.memory_space<hbm>> -> memref<48x768xf32, #tpu.memory_space<hbm>>
      %dma_start3A_63 = arith.constant 0 : i32
      %dma_start3A_64 = tpu.memref_slice %arg5[%add3A_29, %dma_start3A_63] : memref<6144x768xf32, #tpu.memory_space<hbm>> -> memref<48x768xf32, #tpu.memory_space<hbm>>
      tpu.enqueue_dma source(%arg11 : memref<48x768xf32, #tpu.memory_space<vmem>>) target(%dma_start3A_64 : memref<48x768xf32, #tpu.memory_space<hbm>>) target_semaphore(%run_scoped3A : memref<!tpu.dma_semaphore, #tpu.memory_space<semaphore_mem>>)
      %dma_wait3A_65 = arith.constant 0 : i32
      %dma_wait3A_66 = tpu.memref_slice %arg5[%add3A_29, %dma_wait3A_65] : memref<6144x768xf32, #tpu.memory_space<hbm>> -> memref<48x768xf32, #tpu.memory_space<hbm>>
      %dma_wait3A_67 = arith.constant 0 : i32
      %dma_wait3A_68 = tpu.memref_slice %arg5[%add3A_29, %dma_wait3A_67] : memref<6144x768xf32, #tpu.memory_space<hbm>> -> memref<48x768xf32, #tpu.memory_space<hbm>>
      tpu.wait_dma2 semaphore(%run_scoped3A : memref<!tpu.dma_semaphore, #tpu.memory_space<semaphore_mem>>) src(%arg11 : memref<48x768xf32, #tpu.memory_space<vmem>>) dst(%dma_wait3A_68 : memref<48x768xf32, #tpu.memory_space<hbm>>)
      tpu.yield
    }) : () -> ()
    %dma_start3A_30 = arith.constant 96 : i32
    %dma_start3A_31 = tpu.memref_slice %arg9[%dma_start3A_30] : memref<192xi32, #tpu.memory_space<vmem>> -> memref<48xi32, #tpu.memory_space<vmem>>
    %dma_start3A_32 = arith.constant 0 : i32
    %dma_start3A_33 = arith.constant 0 : i32
    %dma_start3A_34 = tpu.memref_slice %arg4[%dma_start3A_32, %dma_start3A_33] : memref<2048x768xf32, #tpu.memory_space<hbm>> -> memref<2048x768xf32, #tpu.memory_space<hbm>>
    tpu.enqueue_indirect_dma source(%dma_start3A_34 : memref<2048x768xf32, #tpu.memory_space<hbm>>) target(%arg11 : memref<48x768xf32, #tpu.memory_space<vmem>>) offsets(%dma_start3A_31 : memref<48xi32, #tpu.memory_space<vmem>>) semaphore(%arg13 : memref<!tpu.dma_semaphore, #tpu.memory_space<semaphore_mem>>)
    %dma_wait3A_35 = arith.constant 48 : i32
    %dma_wait3A_36 = tpu.memref_slice %arg9[%dma_wait3A_35] : memref<192xi32, #tpu.memory_space<vmem>> -> memref<48xi32, #tpu.memory_space<vmem>>
    %dma_wait3A_37 = arith.constant 0 : i32
    %dma_wait3A_38 = arith.constant 0 : i32
    %dma_wait3A_39 = tpu.memref_slice %arg4[%dma_wait3A_37, %dma_wait3A_38] : memref<2048x768xf32, #tpu.memory_space<hbm>> -> memref<2048x768xf32, #tpu.memory_space<hbm>>
    tpu.wait_indirect_dma semaphore(%arg14 : memref<!tpu.dma_semaphore, #tpu.memory_space<semaphore_mem>>) src(%dma_wait3A_39 : memref<2048x768xf32, #tpu.memory_space<hbm>>) dst(%arg12 : memref<48x768xf32, #tpu.memory_space<vmem>>)
    %add3A_40 = arith.constant 48 : i32
    %add3A_41 = arith.addi %mul3A_2, %add3A_40 : i32
    "tpu.region"() ({
      %run_scoped3A = tpu.sem_alloc : memref<!tpu.dma_semaphore, #tpu.memory_space<semaphore_mem>>
      %dma_start3A_61 = arith.constant 0 : i32
      %dma_start3A_62 = tpu.memref_slice %arg5[%add3A_41, %dma_start3A_61] : memref<6144x768xf32, #tpu.memory_space<hbm>> -> memref<48x768xf32, #tpu.memory_space<hbm>>
      %dma_start3A_63 = arith.constant 0 : i32
      %dma_start3A_64 = tpu.memref_slice %arg5[%add3A_41, %dma_start3A_63] : memref<6144x768xf32, #tpu.memory_space<hbm>> -> memref<48x768xf32, #tpu.memory_space<hbm>>
      tpu.enqueue_dma source(%arg12 : memref<48x768xf32, #tpu.memory_space<vmem>>) target(%dma_start3A_64 : memref<48x768xf32, #tpu.memory_space<hbm>>) target_semaphore(%run_scoped3A : memref<!tpu.dma_semaphore, #tpu.memory_space<semaphore_mem>>)
      %dma_wait3A_65 = arith.constant 0 : i32
      %dma_wait3A_66 = tpu.memref_slice %arg5[%add3A_41, %dma_wait3A_65] : memref<6144x768xf32, #tpu.memory_space<hbm>> -> memref<48x768xf32, #tpu.memory_space<hbm>>
      %dma_wait3A_67 = arith.constant 0 : i32
      %dma_wait3A_68 = tpu.memref_slice %arg5[%add3A_41, %dma_wait3A_67] : memref<6144x768xf32, #tpu.memory_space<hbm>> -> memref<48x768xf32, #tpu.memory_space<hbm>>
      tpu.wait_dma2 semaphore(%run_scoped3A : memref<!tpu.dma_semaphore, #tpu.memory_space<semaphore_mem>>) src(%arg12 : memref<48x768xf32, #tpu.memory_space<vmem>>) dst(%dma_wait3A_68 : memref<48x768xf32, #tpu.memory_space<hbm>>)
      tpu.yield
    }) : () -> ()
    %dma_start3A_42 = arith.constant 144 : i32
    %dma_start3A_43 = tpu.memref_slice %arg9[%dma_start3A_42] : memref<192xi32, #tpu.memory_space<vmem>> -> memref<48xi32, #tpu.memory_space<vmem>>
    %dma_start3A_44 = arith.constant 0 : i32
    %dma_start3A_45 = arith.constant 0 : i32
    %dma_start3A_46 = tpu.memref_slice %arg4[%dma_start3A_44, %dma_start3A_45] : memref<2048x768xf32, #tpu.memory_space<hbm>> -> memref<2048x768xf32, #tpu.memory_space<hbm>>
    tpu.enqueue_indirect_dma source(%dma_start3A_46 : memref<2048x768xf32, #tpu.memory_space<hbm>>) target(%arg12 : memref<48x768xf32, #tpu.memory_space<vmem>>) offsets(%dma_start3A_43 : memref<48xi32, #tpu.memory_space<vmem>>) semaphore(%arg14 : memref<!tpu.dma_semaphore, #tpu.memory_space<semaphore_mem>>)
    %dma_wait3A_47 = arith.constant 96 : i32
    %dma_wait3A_48 = tpu.memref_slice %arg9[%dma_wait3A_47] : memref<192xi32, #tpu.memory_space<vmem>> -> memref<48xi32, #tpu.memory_space<vmem>>
    %dma_wait3A_49 = arith.constant 0 : i32
    %dma_wait3A_50 = arith.constant 0 : i32
    %dma_wait3A_51 = tpu.memref_slice %arg4[%dma_wait3A_49, %dma_wait3A_50] : memref<2048x768xf32, #tpu.memory_space<hbm>> -> memref<2048x768xf32, #tpu.memory_space<hbm>>
    tpu.wait_indirect_dma semaphore(%arg13 : memref<!tpu.dma_semaphore, #tpu.memory_space<semaphore_mem>>) src(%dma_wait3A_51 : memref<2048x768xf32, #tpu.memory_space<hbm>>) dst(%arg11 : memref<48x768xf32, #tpu.memory_space<vmem>>)
    %add3A_52 = arith.constant 96 : i32
    %add3A_53 = arith.addi %mul3A_2, %add3A_52 : i32
    "tpu.region"() ({
      %run_scoped3A = tpu.sem_alloc : memref<!tpu.dma_semaphore, #tpu.memory_space<semaphore_mem>>
      %dma_start3A_61 = arith.constant 0 : i32
      %dma_start3A_62 = tpu.memref_slice %arg5[%add3A_53, %dma_start3A_61] : memref<6144x768xf32, #tpu.memory_space<hbm>> -> memref<48x768xf32, #tpu.memory_space<hbm>>
      %dma_start3A_63 = arith.constant 0 : i32
      %dma_start3A_64 = tpu.memref_slice %arg5[%add3A_53, %dma_start3A_63] : memref<6144x768xf32, #tpu.memory_space<hbm>> -> memref<48x768xf32, #tpu.memory_space<hbm>>
      tpu.enqueue_dma source(%arg11 : memref<48x768xf32, #tpu.memory_space<vmem>>) target(%dma_start3A_64 : memref<48x768xf32, #tpu.memory_space<hbm>>) target_semaphore(%run_scoped3A : memref<!tpu.dma_semaphore, #tpu.memory_space<semaphore_mem>>)
      %dma_wait3A_65 = arith.constant 0 : i32
      %dma_wait3A_66 = tpu.memref_slice %arg5[%add3A_53, %dma_wait3A_65] : memref<6144x768xf32, #tpu.memory_space<hbm>> -> memref<48x768xf32, #tpu.memory_space<hbm>>
      %dma_wait3A_67 = arith.constant 0 : i32
      %dma_wait3A_68 = tpu.memref_slice %arg5[%add3A_53, %dma_wait3A_67] : memref<6144x768xf32, #tpu.memory_space<hbm>> -> memref<48x768xf32, #tpu.memory_space<hbm>>
      tpu.wait_dma2 semaphore(%run_scoped3A : memref<!tpu.dma_semaphore, #tpu.memory_space<semaphore_mem>>) src(%arg11 : memref<48x768xf32, #tpu.memory_space<vmem>>) dst(%dma_wait3A_68 : memref<48x768xf32, #tpu.memory_space<hbm>>)
      tpu.yield
    }) : () -> ()
    %dma_wait3A_54 = arith.constant 144 : i32
    %dma_wait3A_55 = tpu.memref_slice %arg9[%dma_wait3A_54] : memref<192xi32, #tpu.memory_space<vmem>> -> memref<48xi32, #tpu.memory_space<vmem>>
    %dma_wait3A_56 = arith.constant 0 : i32
    %dma_wait3A_57 = arith.constant 0 : i32
    %dma_wait3A_58 = tpu.memref_slice %arg4[%dma_wait3A_56, %dma_wait3A_57] : memref<2048x768xf32, #tpu.memory_space<hbm>> -> memref<2048x768xf32, #tpu.memory_space<hbm>>
    tpu.wait_indirect_dma semaphore(%arg14 : memref<!tpu.dma_semaphore, #tpu.memory_space<semaphore_mem>>) src(%dma_wait3A_58 : memref<2048x768xf32, #tpu.memory_space<hbm>>) dst(%arg12 : memref<48x768xf32, #tpu.memory_space<vmem>>)
    %add3A_59 = arith.constant 144 : i32
    %add3A_60 = arith.addi %mul3A_2, %add3A_59 : i32
    "tpu.region"() ({
      %run_scoped3A = tpu.sem_alloc : memref<!tpu.dma_semaphore, #tpu.memory_space<semaphore_mem>>
      %dma_start3A_61 = arith.constant 0 : i32
      %dma_start3A_62 = tpu.memref_slice %arg5[%add3A_60, %dma_start3A_61] : memref<6144x768xf32, #tpu.memory_space<hbm>> -> memref<48x768xf32, #tpu.memory_space<hbm>>
      %dma_start3A_63 = arith.constant 0 : i32
      %dma_start3A_64 = tpu.memref_slice %arg5[%add3A_60, %dma_start3A_63] : memref<6144x768xf32, #tpu.memory_space<hbm>> -> memref<48x768xf32, #tpu.memory_space<hbm>>
      tpu.enqueue_dma source(%arg12 : memref<48x768xf32, #tpu.memory_space<vmem>>) target(%dma_start3A_64 : memref<48x768xf32, #tpu.memory_space<hbm>>) target_semaphore(%run_scoped3A : memref<!tpu.dma_semaphore, #tpu.memory_space<semaphore_mem>>)
      %dma_wait3A_65 = arith.constant 0 : i32
      %dma_wait3A_66 = tpu.memref_slice %arg5[%add3A_60, %dma_wait3A_65] : memref<6144x768xf32, #tpu.memory_space<hbm>> -> memref<48x768xf32, #tpu.memory_space<hbm>>
      %dma_wait3A_67 = arith.constant 0 : i32
      %dma_wait3A_68 = tpu.memref_slice %arg5[%add3A_60, %dma_wait3A_67] : memref<6144x768xf32, #tpu.memory_space<hbm>> -> memref<48x768xf32, #tpu.memory_space<hbm>>
      tpu.wait_dma2 semaphore(%run_scoped3A : memref<!tpu.dma_semaphore, #tpu.memory_space<semaphore_mem>>) src(%arg12 : memref<48x768xf32, #tpu.memory_space<vmem>>) dst(%dma_wait3A_68 : memref<48x768xf32, #tpu.memory_space<hbm>>)
      tpu.yield
    }) : () -> ()
    "tpu.region"() ({
      %run_scoped3A = tpu.sem_alloc : memref<!tpu.dma_semaphore, #tpu.memory_space<semaphore_mem>>
      %dma_start3A_61 = tpu.memref_slice %arg6[%mul3A_2] : memref<6144xf32, #tpu.memory_space<hbm>> -> memref<192xf32, #tpu.memory_space<hbm>>
      %dma_start3A_62 = tpu.memref_slice %arg6[%mul3A_2] : memref<6144xf32, #tpu.memory_space<hbm>> -> memref<192xf32, #tpu.memory_space<hbm>>
      tpu.enqueue_dma source(%arg10 : memref<192xf32, #tpu.memory_space<vmem>>) target(%dma_start3A_62 : memref<192xf32, #tpu.memory_space<hbm>>) target_semaphore(%run_scoped3A : memref<!tpu.dma_semaphore, #tpu.memory_space<semaphore_mem>>)
      %dma_wait3A_63 = tpu.memref_slice %arg6[%mul3A_2] : memref<6144xf32, #tpu.memory_space<hbm>> -> memref<192xf32, #tpu.memory_space<hbm>>
      %dma_wait3A_64 = tpu.memref_slice %arg6[%mul3A_2] : memref<6144xf32, #tpu.memory_space<hbm>> -> memref<192xf32, #tpu.memory_space<hbm>>
      tpu.wait_dma2 semaphore(%run_scoped3A : memref<!tpu.dma_semaphore, #tpu.memory_space<semaphore_mem>>) src(%arg10 : memref<192xf32, #tpu.memory_space<vmem>>) dst(%dma_wait3A_64 : memref<192xf32, #tpu.memory_space<hbm>>)
      tpu.yield
    }) : () -> ()
    return
  }
}

module attributes {stable_mosaic.version = 14 : i64} {
  func.func @_router_body(%arg0: memref<2048x768xf32, #tpu.memory_space<vmem>>, %arg1: memref<1x768xf32, #tpu.memory_space<vmem>>, %arg2: memref<768x8xf32, #tpu.memory_space<vmem>>, %arg3: memref<1x8xf32, #tpu.memory_space<vmem>>, %arg4: memref<2048x2xi32, #tpu.memory_space<vmem>>, %arg5: memref<2048x2xf32, #tpu.memory_space<vmem>>, %arg6: memref<1x32xi32, #tpu.memory_space<vmem>>) attributes {dimension_semantics = [], scalar_prefetch = 0 : i64, scratch_operands = 0 : i64, tpu.core_type = #tpu.core_type<tc>} {
    %get3A = arith.constant 0 : index
    %get3A_0 = arith.constant 0 : index
    %get3A_1 = vector.load %arg0[%get3A, %get3A_0] : memref<2048x768xf32, #tpu.memory_space<vmem>>, vector<2048x768xf32>
    %square3A = arith.mulf %get3A_1, %get3A_1 : vector<2048x768xf32>
    %reduce_sum3A = arith.constant dense<0.000000e+00> : vector<2048xf32>
    %reduce_sum3A_2 = vector.multi_reduction <add>, %square3A, %reduce_sum3A [1] : vector<2048x768xf32> to vector<2048xf32>
    %broadcast_in_dim3A = vector.shape_cast %reduce_sum3A_2 : vector<2048xf32> to vector<2048x1xf32>
    %div3A = arith.constant 7.680000e+02 : f32
    %div3A_3 = vector.broadcast %div3A : f32 to vector<2048x1xf32>
    %div3A_4 = arith.divf %broadcast_in_dim3A, %div3A_3 : vector<2048x1xf32>
    %add3A = arith.constant 9.99999997E-7 : f32
    %add3A_5 = vector.broadcast %add3A : f32 to vector<2048x1xf32>
    %add3A_6 = arith.addf %div3A_4, %add3A_5 : vector<2048x1xf32>
    %rsqrt3A = math.rsqrt %add3A_6 : vector<2048x1xf32>
    %mul3A = vector.broadcast %rsqrt3A : vector<2048x1xf32> to vector<2048x768xf32>
    %mul3A_7 = arith.mulf %get3A_1, %mul3A : vector<2048x768xf32>
    %get3A_8 = arith.constant 0 : index
    %get3A_9 = arith.constant 0 : index
    %get3A_10 = vector.load %arg1[%get3A_8, %get3A_9] : memref<1x768xf32, #tpu.memory_space<vmem>>, vector<1x768xf32>
    %mul3A_11 = vector.broadcast %get3A_10 : vector<1x768xf32> to vector<2048x768xf32>
    %mul3A_12 = arith.mulf %mul3A_7, %mul3A_11 : vector<2048x768xf32>
    %mul3A_13 = arith.constant 0.0360843912 : f32
    %mul3A_14 = vector.broadcast %mul3A_13 : f32 to vector<2048x768xf32>
    %mul3A_15 = arith.mulf %mul3A_12, %mul3A_14 : vector<2048x768xf32>
    %convert_element_type3A = arith.truncf %mul3A_15 : vector<2048x768xf32> to vector<2048x768xbf16>
    %get3A_16 = arith.constant 0 : index
    %get3A_17 = arith.constant 0 : index
    %get3A_18 = vector.load %arg2[%get3A_16, %get3A_17] : memref<768x8xf32, #tpu.memory_space<vmem>>, vector<768x8xf32>
    %convert_element_type3A_19 = arith.truncf %get3A_18 : vector<768x8xf32> to vector<768x8xbf16>
    %dot_general3A = arith.constant dense<0.000000e+00> : vector<2048x8xf32>
    %dot_general3A_20 = tpu.matmul %convert_element_type3A, %convert_element_type3A_19, %dot_general3A {dimension_numbers = #tpu.dot_dimension_numbers<[1], [0], [0], [1], [0, 0, 1, 1], [], []>, transpose_lhs_hint = false} : vector<2048x768xbf16>, vector<768x8xbf16>, vector<2048x8xf32> -> vector<2048x8xf32>
    %reduce_max3A = arith.constant dense<0xFF800000> : vector<2048xf32>
    %reduce_max3A_21 = vector.multi_reduction <maximumf>, %dot_general3A_20, %reduce_max3A [1] : vector<2048x8xf32> to vector<2048xf32>
    %max3A = arith.constant 0xFF800000 : f32
    %max3A_22 = vector.broadcast %max3A : f32 to vector<2048xf32>
    %max3A_23 = arith.maximumf %max3A_22, %reduce_max3A_21 : vector<2048xf32>
    %broadcast_in_dim3A_24 = vector.shape_cast %max3A_23 : vector<2048xf32> to vector<2048x1xf32>
    %sub3A = vector.broadcast %broadcast_in_dim3A_24 : vector<2048x1xf32> to vector<2048x8xf32>
    %sub3A_25 = arith.subf %dot_general3A_20, %sub3A : vector<2048x8xf32>
    %exp3A = math.exp %sub3A_25 : vector<2048x8xf32>
    %reduce_sum3A_26 = arith.constant dense<0.000000e+00> : vector<2048xf32>
    %reduce_sum3A_27 = vector.multi_reduction <add>, %exp3A, %reduce_sum3A_26 [1] : vector<2048x8xf32> to vector<2048xf32>
    %broadcast_in_dim3A_28 = vector.shape_cast %reduce_sum3A_27 : vector<2048xf32> to vector<2048x1xf32>
    %div3A_29 = vector.broadcast %broadcast_in_dim3A_28 : vector<2048x1xf32> to vector<2048x8xf32>
    %div3A_30 = arith.divf %exp3A, %div3A_29 : vector<2048x8xf32>
    %iota3A = tpu.iota {dimensions = array<i32: 1>} : vector<2048x8xi32>
    %reduce_max3A_31 = arith.constant dense<0xFF800000> : vector<2048xf32>
    %reduce_max3A_32 = vector.multi_reduction <maximumf>, %div3A_30, %reduce_max3A_31 [1] : vector<2048x8xf32> to vector<2048xf32>
    %broadcast_in_dim3A_33 = vector.shape_cast %reduce_max3A_32 : vector<2048xf32> to vector<2048x1xf32>
    %eq3A = vector.broadcast %broadcast_in_dim3A_33 : vector<2048x1xf32> to vector<2048x8xf32>
    %eq3A_34 = arith.cmpf oeq, %div3A_30, %eq3A : vector<2048x8xf32>
    %jit3A = arith.constant 8 : i32
    %broadcast_in_dim3A_35 = vector.broadcast %jit3A : i32 to vector<2048x8xi32>
    %select_n3A = arith.select %eq3A_34, %iota3A, %broadcast_in_dim3A_35 : vector<2048x8xi1>, vector<2048x8xi32>
    %reduce_min3A = arith.constant dense<2147483647> : vector<2048xi32>
    %reduce_min3A_36 = vector.multi_reduction <minsi>, %select_n3A, %reduce_min3A [1] : vector<2048x8xi32> to vector<2048xi32>
    %broadcast_in_dim3A_37 = vector.shape_cast %reduce_min3A_36 : vector<2048xi32> to vector<2048x1xi32>
    %eq3A_38 = vector.broadcast %broadcast_in_dim3A_37 : vector<2048x1xi32> to vector<2048x8xi32>
    %eq3A_39 = arith.cmpi eq, %iota3A, %eq3A_38 : vector<2048x8xi32>
    %convert_element_type3A_40 = arith.extui %eq3A_39 : vector<2048x8xi1> to vector<2048x8xi32>
    %convert_element_type3A_41 = arith.sitofp %convert_element_type3A_40 : vector<2048x8xi32> to vector<2048x8xf32>
    %gt3A = arith.constant 0.000000e+00 : f32
    %gt3A_42 = vector.broadcast %gt3A : f32 to vector<2048x8xf32>
    %gt3A_43 = arith.cmpf ogt, %convert_element_type3A_41, %gt3A_42 : vector<2048x8xf32>
    %jit3A_44 = arith.constant 0xFF800000 : f32
    %broadcast_in_dim3A_45 = vector.broadcast %jit3A_44 : f32 to vector<2048x8xf32>
    %select_n3A_46 = arith.select %gt3A_43, %broadcast_in_dim3A_45, %div3A_30 : vector<2048x8xi1>, vector<2048x8xf32>
    %reduce_max3A_47 = arith.constant dense<0xFF800000> : vector<2048xf32>
    %reduce_max3A_48 = vector.multi_reduction <maximumf>, %select_n3A_46, %reduce_max3A_47 [1] : vector<2048x8xf32> to vector<2048xf32>
    %broadcast_in_dim3A_49 = vector.shape_cast %reduce_max3A_48 : vector<2048xf32> to vector<2048x1xf32>
    %eq3A_50 = vector.broadcast %broadcast_in_dim3A_49 : vector<2048x1xf32> to vector<2048x8xf32>
    %eq3A_51 = arith.cmpf oeq, %select_n3A_46, %eq3A_50 : vector<2048x8xf32>
    %jit3A_52 = arith.constant 8 : i32
    %broadcast_in_dim3A_53 = vector.broadcast %jit3A_52 : i32 to vector<2048x8xi32>
    %select_n3A_54 = arith.select %eq3A_51, %iota3A, %broadcast_in_dim3A_53 : vector<2048x8xi1>, vector<2048x8xi32>
    %reduce_min3A_55 = arith.constant dense<2147483647> : vector<2048xi32>
    %reduce_min3A_56 = vector.multi_reduction <minsi>, %select_n3A_54, %reduce_min3A_55 [1] : vector<2048x8xi32> to vector<2048xi32>
    %broadcast_in_dim3A_57 = vector.shape_cast %reduce_min3A_56 : vector<2048xi32> to vector<2048x1xi32>
    %eq3A_58 = vector.broadcast %broadcast_in_dim3A_57 : vector<2048x1xi32> to vector<2048x8xi32>
    %eq3A_59 = arith.cmpi eq, %iota3A, %eq3A_58 : vector<2048x8xi32>
    %convert_element_type3A_60 = arith.extui %eq3A_59 : vector<2048x8xi1> to vector<2048x8xi32>
    %convert_element_type3A_61 = arith.sitofp %convert_element_type3A_60 : vector<2048x8xi32> to vector<2048x8xf32>
    %add3A_62 = arith.addf %broadcast_in_dim3A_33, %broadcast_in_dim3A_49 : vector<2048x1xf32>
    %add3A_63 = arith.constant 9.99999968E-21 : f32
    %add3A_64 = vector.broadcast %add3A_63 : f32 to vector<2048x1xf32>
    %add3A_65 = arith.addf %add3A_62, %add3A_64 : vector<2048x1xf32>
    %get3A_66 = arith.constant 0 : index
    %get3A_67 = arith.constant 0 : index
    %get3A_68 = vector.load %arg3[%get3A_66, %get3A_67] : memref<1x8xf32, #tpu.memory_space<vmem>>, vector<1x8xf32>
    %div3A_69 = arith.divf %broadcast_in_dim3A_33, %add3A_65 : vector<2048x1xf32>
    %mul3A_70 = vector.broadcast %get3A_68 : vector<1x8xf32> to vector<2048x8xf32>
    %mul3A_71 = arith.mulf %convert_element_type3A_41, %mul3A_70 : vector<2048x8xf32>
    %reduce_sum3A_72 = arith.constant dense<0.000000e+00> : vector<2048xf32>
    %reduce_sum3A_73 = vector.multi_reduction <add>, %mul3A_71, %reduce_sum3A_72 [1] : vector<2048x8xf32> to vector<2048xf32>
    %broadcast_in_dim3A_74 = vector.shape_cast %reduce_sum3A_73 : vector<2048xf32> to vector<2048x1xf32>
    %mul3A_75 = arith.mulf %div3A_69, %broadcast_in_dim3A_74 : vector<2048x1xf32>
    %div3A_76 = arith.divf %broadcast_in_dim3A_49, %add3A_65 : vector<2048x1xf32>
    %mul3A_77 = vector.broadcast %get3A_68 : vector<1x8xf32> to vector<2048x8xf32>
    %mul3A_78 = arith.mulf %convert_element_type3A_61, %mul3A_77 : vector<2048x8xf32>
    %reduce_sum3A_79 = arith.constant dense<0.000000e+00> : vector<2048xf32>
    %reduce_sum3A_80 = vector.multi_reduction <add>, %mul3A_78, %reduce_sum3A_79 [1] : vector<2048x8xf32> to vector<2048xf32>
    %broadcast_in_dim3A_81 = vector.shape_cast %reduce_sum3A_80 : vector<2048xf32> to vector<2048x1xf32>
    %mul3A_82 = arith.mulf %div3A_76, %broadcast_in_dim3A_81 : vector<2048x1xf32>
    %add3A_83 = arith.addf %convert_element_type3A_41, %convert_element_type3A_61 : vector<2048x8xf32>
    %broadcast_in_dim3A_84 = arith.constant 0.000000e+00 : f32
    %broadcast_in_dim3A_85 = vector.broadcast %broadcast_in_dim3A_84 : f32 to vector<1x8xf32>
    %slice3A = vector.extract_strided_slice %add3A_83 {offsets = [0, 0], sizes = [2047, 8], strides = [1, 1]} : vector<2048x8xf32> to vector<2047x8xf32>
    %concatenate3A = tpu.concatenate %broadcast_in_dim3A_85, %slice3A in 0 : vector<1x8xf32>, vector<2047x8xf32> -> vector<2048x8xf32>
    %add3A_86 = arith.addf %add3A_83, %concatenate3A : vector<2048x8xf32>
    %broadcast_in_dim3A_87 = arith.constant 0.000000e+00 : f32
    %broadcast_in_dim3A_88 = vector.broadcast %broadcast_in_dim3A_87 : f32 to vector<2x8xf32>
    %slice3A_89 = vector.extract_strided_slice %add3A_86 {offsets = [0, 0], sizes = [2046, 8], strides = [1, 1]} : vector<2048x8xf32> to vector<2046x8xf32>
    %concatenate3A_90 = tpu.concatenate %broadcast_in_dim3A_88, %slice3A_89 in 0 : vector<2x8xf32>, vector<2046x8xf32> -> vector<2048x8xf32>
    %add3A_91 = arith.addf %add3A_86, %concatenate3A_90 : vector<2048x8xf32>
    %broadcast_in_dim3A_92 = arith.constant 0.000000e+00 : f32
    %broadcast_in_dim3A_93 = vector.broadcast %broadcast_in_dim3A_92 : f32 to vector<4x8xf32>
    %slice3A_94 = vector.extract_strided_slice %add3A_91 {offsets = [0, 0], sizes = [2044, 8], strides = [1, 1]} : vector<2048x8xf32> to vector<2044x8xf32>
    %concatenate3A_95 = tpu.concatenate %broadcast_in_dim3A_93, %slice3A_94 in 0 : vector<4x8xf32>, vector<2044x8xf32> -> vector<2048x8xf32>
    %add3A_96 = arith.addf %add3A_91, %concatenate3A_95 : vector<2048x8xf32>
    %broadcast_in_dim3A_97 = arith.constant 0.000000e+00 : f32
    %broadcast_in_dim3A_98 = vector.broadcast %broadcast_in_dim3A_97 : f32 to vector<8x8xf32>
    %slice3A_99 = vector.extract_strided_slice %add3A_96 {offsets = [0, 0], sizes = [2040, 8], strides = [1, 1]} : vector<2048x8xf32> to vector<2040x8xf32>
    %concatenate3A_100 = tpu.concatenate %broadcast_in_dim3A_98, %slice3A_99 in 0 : vector<8x8xf32>, vector<2040x8xf32> -> vector<2048x8xf32>
    %add3A_101 = arith.addf %add3A_96, %concatenate3A_100 : vector<2048x8xf32>
    %broadcast_in_dim3A_102 = arith.constant 0.000000e+00 : f32
    %broadcast_in_dim3A_103 = vector.broadcast %broadcast_in_dim3A_102 : f32 to vector<16x8xf32>
    %slice3A_104 = vector.extract_strided_slice %add3A_101 {offsets = [0, 0], sizes = [2032, 8], strides = [1, 1]} : vector<2048x8xf32> to vector<2032x8xf32>
    %concatenate3A_105 = tpu.concatenate %broadcast_in_dim3A_103, %slice3A_104 in 0 : vector<16x8xf32>, vector<2032x8xf32> -> vector<2048x8xf32>
    %add3A_106 = arith.addf %add3A_101, %concatenate3A_105 : vector<2048x8xf32>
    %broadcast_in_dim3A_107 = arith.constant 0.000000e+00 : f32
    %broadcast_in_dim3A_108 = vector.broadcast %broadcast_in_dim3A_107 : f32 to vector<32x8xf32>
    %slice3A_109 = vector.extract_strided_slice %add3A_106 {offsets = [0, 0], sizes = [2016, 8], strides = [1, 1]} : vector<2048x8xf32> to vector<2016x8xf32>
    %concatenate3A_110 = tpu.concatenate %broadcast_in_dim3A_108, %slice3A_109 in 0 : vector<32x8xf32>, vector<2016x8xf32> -> vector<2048x8xf32>
    %add3A_111 = arith.addf %add3A_106, %concatenate3A_110 : vector<2048x8xf32>
    %broadcast_in_dim3A_112 = arith.constant 0.000000e+00 : f32
    %broadcast_in_dim3A_113 = vector.broadcast %broadcast_in_dim3A_112 : f32 to vector<64x8xf32>
    %slice3A_114 = vector.extract_strided_slice %add3A_111 {offsets = [0, 0], sizes = [1984, 8], strides = [1, 1]} : vector<2048x8xf32> to vector<1984x8xf32>
    %concatenate3A_115 = tpu.concatenate %broadcast_in_dim3A_113, %slice3A_114 in 0 : vector<64x8xf32>, vector<1984x8xf32> -> vector<2048x8xf32>
    %add3A_116 = arith.addf %add3A_111, %concatenate3A_115 : vector<2048x8xf32>
    %broadcast_in_dim3A_117 = arith.constant 0.000000e+00 : f32
    %broadcast_in_dim3A_118 = vector.broadcast %broadcast_in_dim3A_117 : f32 to vector<128x8xf32>
    %slice3A_119 = vector.extract_strided_slice %add3A_116 {offsets = [0, 0], sizes = [1920, 8], strides = [1, 1]} : vector<2048x8xf32> to vector<1920x8xf32>
    %concatenate3A_120 = tpu.concatenate %broadcast_in_dim3A_118, %slice3A_119 in 0 : vector<128x8xf32>, vector<1920x8xf32> -> vector<2048x8xf32>
    %add3A_121 = arith.addf %add3A_116, %concatenate3A_120 : vector<2048x8xf32>
    %broadcast_in_dim3A_122 = arith.constant 0.000000e+00 : f32
    %broadcast_in_dim3A_123 = vector.broadcast %broadcast_in_dim3A_122 : f32 to vector<256x8xf32>
    %slice3A_124 = vector.extract_strided_slice %add3A_121 {offsets = [0, 0], sizes = [1792, 8], strides = [1, 1]} : vector<2048x8xf32> to vector<1792x8xf32>
    %concatenate3A_125 = tpu.concatenate %broadcast_in_dim3A_123, %slice3A_124 in 0 : vector<256x8xf32>, vector<1792x8xf32> -> vector<2048x8xf32>
    %add3A_126 = arith.addf %add3A_121, %concatenate3A_125 : vector<2048x8xf32>
    %broadcast_in_dim3A_127 = arith.constant 0.000000e+00 : f32
    %broadcast_in_dim3A_128 = vector.broadcast %broadcast_in_dim3A_127 : f32 to vector<512x8xf32>
    %slice3A_129 = vector.extract_strided_slice %add3A_126 {offsets = [0, 0], sizes = [1536, 8], strides = [1, 1]} : vector<2048x8xf32> to vector<1536x8xf32>
    %concatenate3A_130 = tpu.concatenate %broadcast_in_dim3A_128, %slice3A_129 in 0 : vector<512x8xf32>, vector<1536x8xf32> -> vector<2048x8xf32>
    %add3A_131 = arith.addf %add3A_126, %concatenate3A_130 : vector<2048x8xf32>
    %broadcast_in_dim3A_132 = arith.constant 0.000000e+00 : f32
    %broadcast_in_dim3A_133 = vector.broadcast %broadcast_in_dim3A_132 : f32 to vector<1024x8xf32>
    %slice3A_134 = vector.extract_strided_slice %add3A_131 {offsets = [0, 0], sizes = [1024, 8], strides = [1, 1]} : vector<2048x8xf32> to vector<1024x8xf32>
    %concatenate3A_135 = tpu.concatenate %broadcast_in_dim3A_133, %slice3A_134 in 0 : vector<1024x8xf32>, vector<1024x8xf32> -> vector<2048x8xf32>
    %add3A_136 = arith.addf %add3A_131, %concatenate3A_135 : vector<2048x8xf32>
    %sub3A_137 = arith.subf %add3A_136, %add3A_83 : vector<2048x8xf32>
    %slice3A_138 = vector.extract_strided_slice %add3A_136 {offsets = [2047, 0], sizes = [1, 8], strides = [1, 1]} : vector<2048x8xf32> to vector<1x8xf32>
    %convert_element_type3A_139 = arith.fptosi %slice3A_138 : vector<1x8xf32> to vector<1x8xi32>
    %add3A_140 = arith.constant 255 : i32
    %add3A_141 = vector.broadcast %add3A_140 : i32 to vector<1x8xi32>
    %add3A_142 = arith.addi %convert_element_type3A_139, %add3A_141 : vector<1x8xi32>
    %jit3A_143 = arith.constant 256 : i32
    %div3A_144 = vector.broadcast %jit3A_143 : i32 to vector<1x8xi32>
    %div3A_145 = arith.divsi %add3A_142, %div3A_144 : vector<1x8xi32>
    %sign3A = arith.constant 0 : i32
    %sign3A_146 = vector.broadcast %sign3A : i32 to vector<1x8xi32>
    %sign3A_147 = arith.cmpi sgt, %add3A_142, %sign3A_146 : vector<1x8xi32>
    %sign3A_148 = arith.extui %sign3A_147 : vector<1x8xi1> to vector<1x8xi32>
    %sign3A_149 = arith.constant 0 : i32
    %sign3A_150 = vector.broadcast %sign3A_149 : i32 to vector<1x8xi32>
    %sign3A_151 = arith.cmpi slt, %add3A_142, %sign3A_150 : vector<1x8xi32>
    %sign3A_152 = arith.extui %sign3A_151 : vector<1x8xi1> to vector<1x8xi32>
    %sign3A_153 = arith.subi %sign3A_148, %sign3A_152 : vector<1x8xi32>
    %sign3A_154 = arith.constant 0 : i32
    %sign3A_155 = arith.cmpi sgt, %jit3A_143, %sign3A_154 : i32
    %sign3A_156 = arith.extui %sign3A_155 : i1 to i32
    %sign3A_157 = arith.constant 0 : i32
    %sign3A_158 = arith.cmpi slt, %jit3A_143, %sign3A_157 : i32
    %sign3A_159 = arith.extui %sign3A_158 : i1 to i32
    %sign3A_160 = arith.subi %sign3A_156, %sign3A_159 : i32
    %ne3A = vector.broadcast %sign3A_160 : i32 to vector<1x8xi32>
    %ne3A_161 = arith.cmpi ne, %sign3A_153, %ne3A : vector<1x8xi32>
    %rem3A = vector.broadcast %jit3A_143 : i32 to vector<1x8xi32>
    %rem3A_162 = arith.remsi %add3A_142, %rem3A : vector<1x8xi32>
    %ne3A_163 = arith.constant 0 : i32
    %ne3A_164 = vector.broadcast %ne3A_163 : i32 to vector<1x8xi32>
    %ne3A_165 = arith.cmpi ne, %rem3A_162, %ne3A_164 : vector<1x8xi32>
    %and3A = arith.andi %ne3A_161, %ne3A_165 : vector<1x8xi1>
    %sub3A_166 = arith.constant 1 : i32
    %sub3A_167 = vector.broadcast %sub3A_166 : i32 to vector<1x8xi32>
    %sub3A_168 = arith.subi %div3A_145, %sub3A_167 : vector<1x8xi32>
    %select_n3A_169 = arith.select %and3A, %sub3A_168, %div3A_145 : vector<1x8xi1>, vector<1x8xi32>
    %mul3A_170 = arith.constant 256 : i32
    %mul3A_171 = vector.broadcast %mul3A_170 : i32 to vector<1x8xi32>
    %mul3A_172 = arith.muli %select_n3A_169, %mul3A_171 : vector<1x8xi32>
    %broadcast_in_dim3A_173 = arith.constant 0 : i32
    %broadcast_in_dim3A_174 = vector.broadcast %broadcast_in_dim3A_173 : i32 to vector<1x1xi32>
    %slice3A_175 = vector.extract_strided_slice %mul3A_172 {offsets = [0, 0], sizes = [1, 7], strides = [1, 1]} : vector<1x8xi32> to vector<1x7xi32>
    %concatenate3A_176 = tpu.concatenate %broadcast_in_dim3A_174, %slice3A_175 in 1 : vector<1x1xi32>, vector<1x7xi32> -> vector<1x8xi32>
    %add3A_177 = arith.addi %mul3A_172, %concatenate3A_176 : vector<1x8xi32>
    %broadcast_in_dim3A_178 = arith.constant 0 : i32
    %broadcast_in_dim3A_179 = vector.broadcast %broadcast_in_dim3A_178 : i32 to vector<1x2xi32>
    %slice3A_180 = vector.extract_strided_slice %add3A_177 {offsets = [0, 0], sizes = [1, 6], strides = [1, 1]} : vector<1x8xi32> to vector<1x6xi32>
    %concatenate3A_181 = tpu.concatenate %broadcast_in_dim3A_179, %slice3A_180 in 1 : vector<1x2xi32>, vector<1x6xi32> -> vector<1x8xi32>
    %add3A_182 = arith.addi %add3A_177, %concatenate3A_181 : vector<1x8xi32>
    %broadcast_in_dim3A_183 = arith.constant 0 : i32
    %broadcast_in_dim3A_184 = vector.broadcast %broadcast_in_dim3A_183 : i32 to vector<1x4xi32>
    %slice3A_185 = vector.extract_strided_slice %add3A_182 {offsets = [0, 0], sizes = [1, 4], strides = [1, 1]} : vector<1x8xi32> to vector<1x4xi32>
    %concatenate3A_186 = tpu.concatenate %broadcast_in_dim3A_184, %slice3A_185 in 1 : vector<1x4xi32>, vector<1x4xi32> -> vector<1x8xi32>
    %add3A_187 = arith.addi %add3A_182, %concatenate3A_186 : vector<1x8xi32>
    %sub3A_188 = arith.subi %add3A_187, %mul3A_172 : vector<1x8xi32>
    %convert_element_type3A_189 = arith.sitofp %sub3A_188 : vector<1x8xi32> to vector<1x8xf32>
    %add3A_190 = vector.broadcast %convert_element_type3A_189 : vector<1x8xf32> to vector<2048x8xf32>
    %add3A_191 = arith.addf %add3A_190, %sub3A_137 : vector<2048x8xf32>
    %mul3A_192 = arith.mulf %convert_element_type3A_41, %add3A_191 : vector<2048x8xf32>
    %reduce_sum3A_193 = arith.constant dense<0.000000e+00> : vector<2048xf32>
    %reduce_sum3A_194 = vector.multi_reduction <add>, %mul3A_192, %reduce_sum3A_193 [1] : vector<2048x8xf32> to vector<2048xf32>
    %broadcast_in_dim3A_195 = vector.shape_cast %reduce_sum3A_194 : vector<2048xf32> to vector<2048x1xf32>
    %mul3A_196 = arith.mulf %convert_element_type3A_61, %add3A_191 : vector<2048x8xf32>
    %reduce_sum3A_197 = arith.constant dense<0.000000e+00> : vector<2048xf32>
    %reduce_sum3A_198 = vector.multi_reduction <add>, %mul3A_196, %reduce_sum3A_197 [1] : vector<2048x8xf32> to vector<2048xf32>
    %broadcast_in_dim3A_199 = vector.shape_cast %reduce_sum3A_198 : vector<2048xf32> to vector<2048x1xf32>
    %concatenate3A_200 = tpu.concatenate %broadcast_in_dim3A_195, %broadcast_in_dim3A_199 in 1 : vector<2048x1xf32>, vector<2048x1xf32> -> vector<2048x2xf32>
    %convert_element_type3A_201 = arith.fptosi %concatenate3A_200 : vector<2048x2xf32> to vector<2048x2xi32>
    %swap3A = arith.constant 0 : index
    %swap3A_202 = arith.constant 0 : index
    %swap3A_203 = vector.load %arg4[%swap3A, %swap3A_202] : memref<2048x2xi32, #tpu.memory_space<vmem>>, vector<2048x2xi32>
    tpu.vector_store %arg4[%swap3A, %swap3A_202], %convert_element_type3A_201 {strides = array<i32>} : memref<2048x2xi32, #tpu.memory_space<vmem>>, vector<2048x2xi32>,
    %concatenate3A_204 = tpu.concatenate %mul3A_75, %mul3A_82 in 1 : vector<2048x1xf32>, vector<2048x1xf32> -> vector<2048x2xf32>
    %swap3A_205 = arith.constant 0 : index
    %swap3A_206 = arith.constant 0 : index
    %swap3A_207 = vector.load %arg5[%swap3A_205, %swap3A_206] : memref<2048x2xf32, #tpu.memory_space<vmem>>, vector<2048x2xf32>
    tpu.vector_store %arg5[%swap3A_205, %swap3A_206], %concatenate3A_204 {strides = array<i32>} : memref<2048x2xf32, #tpu.memory_space<vmem>>, vector<2048x2xf32>,
    %iota3A_208 = tpu.iota {dimensions = array<i32: 1>} : vector<1x8xi32>
    %gt3A_209 = arith.constant 0 : i32
    %gt3A_210 = vector.broadcast %gt3A_209 : i32 to vector<1x8xi32>
    %gt3A_211 = arith.cmpi sgt, %mul3A_172, %gt3A_210 : vector<1x8xi32>
    %jit3A_212 = arith.constant 0 : i32
    %broadcast_in_dim3A_213 = vector.broadcast %jit3A_212 : i32 to vector<1x8xi32>
    %select_n3A_214 = arith.select %gt3A_211, %iota3A_208, %broadcast_in_dim3A_213 : vector<1x8xi1>, vector<1x8xi32>
    %reduce_max3A_215 = vector.shape_cast %select_n3A_214 : vector<1x8xi32> to vector<1x1x8xi32>
    %reduce_max3A_216 = arith.constant dense<-2147483648> : vector<1xi32>
    %reduce_max3A_217 = vector.multi_reduction <maxsi>, %reduce_max3A_215, %reduce_max3A_216 [1, 2] : vector<1x1x8xi32> to vector<1xi32>
    %reduce_max3A_218 = vector.shape_cast %reduce_max3A_217 : vector<1xi32> to vector<1x1x1xi32>
    %reduce_max3A_219 = vector.extract %reduce_max3A_218[0, 0, 0] : i32 from vector<1x1x1xi32>
    %slice3A_220 = vector.extract_strided_slice %add3A_187 {offsets = [0, 7], sizes = [1, 1], strides = [1, 1]} : vector<1x8xi32> to vector<1x1xi32>
    %squeeze3A = vector.extract %slice3A_220[0, 0] : i32 from vector<1x1xi32>
    %jit3A_221 = arith.constant 256 : i32
    %div3A_222 = arith.divsi %squeeze3A, %jit3A_221 : i32
    %sign3A_223 = arith.constant 0 : i32
    %sign3A_224 = arith.cmpi sgt, %squeeze3A, %sign3A_223 : i32
    %sign3A_225 = arith.extui %sign3A_224 : i1 to i32
    %sign3A_226 = arith.constant 0 : i32
    %sign3A_227 = arith.cmpi slt, %squeeze3A, %sign3A_226 : i32
    %sign3A_228 = arith.extui %sign3A_227 : i1 to i32
    %sign3A_229 = arith.subi %sign3A_225, %sign3A_228 : i32
    %sign3A_230 = arith.constant 0 : i32
    %sign3A_231 = arith.cmpi sgt, %jit3A_221, %sign3A_230 : i32
    %sign3A_232 = arith.extui %sign3A_231 : i1 to i32
    %sign3A_233 = arith.constant 0 : i32
    %sign3A_234 = arith.cmpi slt, %jit3A_221, %sign3A_233 : i32
    %sign3A_235 = arith.extui %sign3A_234 : i1 to i32
    %sign3A_236 = arith.subi %sign3A_232, %sign3A_235 : i32
    %ne3A_237 = arith.cmpi ne, %sign3A_229, %sign3A_236 : i32
    %rem3A_238 = arith.remsi %squeeze3A, %jit3A_221 : i32
    %ne3A_239 = arith.constant 0 : i32
    %ne3A_240 = arith.cmpi ne, %rem3A_238, %ne3A_239 : i32
    %and3A_241 = arith.andi %ne3A_237, %ne3A_240 : i1
    %sub3A_242 = arith.constant 1 : i32
    %sub3A_243 = arith.subi %div3A_222, %sub3A_242 : i32
    %select_n3A_244 = arith.select %and3A_241, %sub3A_243, %div3A_222 : i32
    %iota3A_245 = tpu.iota {dimensions = array<i32: 1>} : vector<1x32xi32>
    %broadcast_in_dim3A_246 = arith.constant 0 : i32
    %broadcast_in_dim3A_247 = vector.broadcast %broadcast_in_dim3A_246 : i32 to vector<1x32xi32>
    %mul3A_248 = arith.constant 256 : i32
    %mul3A_249 = vector.broadcast %mul3A_248 : i32 to vector<1x32xi32>
    %mul3A_250 = arith.muli %iota3A_245, %mul3A_249 : vector<1x32xi32>
    %slice3A_251 = vector.extract_strided_slice %add3A_187 {offsets = [0, 0], sizes = [1, 1], strides = [1, 1]} : vector<1x8xi32> to vector<1x1xi32>
    %squeeze3A_252 = vector.extract %slice3A_251[0, 0] : i32 from vector<1x1xi32>
    %ge3A = vector.broadcast %squeeze3A_252 : i32 to vector<1x32xi32>
    %ge3A_253 = arith.cmpi sge, %mul3A_250, %ge3A : vector<1x32xi32>
    %convert_element_type3A_254 = arith.extui %ge3A_253 : vector<1x32xi1> to vector<1x32xi32>
    %add3A_255 = arith.addi %broadcast_in_dim3A_247, %convert_element_type3A_254 : vector<1x32xi32>
    %mul3A_256 = arith.constant 256 : i32
    %mul3A_257 = vector.broadcast %mul3A_256 : i32 to vector<1x32xi32>
    %mul3A_258 = arith.muli %iota3A_245, %mul3A_257 : vector<1x32xi32>
    %slice3A_259 = vector.extract_strided_slice %add3A_187 {offsets = [0, 1], sizes = [1, 1], strides = [1, 1]} : vector<1x8xi32> to vector<1x1xi32>
    %squeeze3A_260 = vector.extract %slice3A_259[0, 0] : i32 from vector<1x1xi32>
    %ge3A_261 = vector.broadcast %squeeze3A_260 : i32 to vector<1x32xi32>
    %ge3A_262 = arith.cmpi sge, %mul3A_258, %ge3A_261 : vector<1x32xi32>
    %convert_element_type3A_263 = arith.extui %ge3A_262 : vector<1x32xi1> to vector<1x32xi32>
    %add3A_264 = arith.addi %add3A_255, %convert_element_type3A_263 : vector<1x32xi32>
    %mul3A_265 = arith.constant 256 : i32
    %mul3A_266 = vector.broadcast %mul3A_265 : i32 to vector<1x32xi32>
    %mul3A_267 = arith.muli %iota3A_245, %mul3A_266 : vector<1x32xi32>
    %slice3A_268 = vector.extract_strided_slice %add3A_187 {offsets = [0, 2], sizes = [1, 1], strides = [1, 1]} : vector<1x8xi32> to vector<1x1xi32>
    %squeeze3A_269 = vector.extract %slice3A_268[0, 0] : i32 from vector<1x1xi32>
    %ge3A_270 = vector.broadcast %squeeze3A_269 : i32 to vector<1x32xi32>
    %ge3A_271 = arith.cmpi sge, %mul3A_267, %ge3A_270 : vector<1x32xi32>
    %convert_element_type3A_272 = arith.extui %ge3A_271 : vector<1x32xi1> to vector<1x32xi32>
    %add3A_273 = arith.addi %add3A_264, %convert_element_type3A_272 : vector<1x32xi32>
    %mul3A_274 = arith.constant 256 : i32
    %mul3A_275 = vector.broadcast %mul3A_274 : i32 to vector<1x32xi32>
    %mul3A_276 = arith.muli %iota3A_245, %mul3A_275 : vector<1x32xi32>
    %slice3A_277 = vector.extract_strided_slice %add3A_187 {offsets = [0, 3], sizes = [1, 1], strides = [1, 1]} : vector<1x8xi32> to vector<1x1xi32>
    %squeeze3A_278 = vector.extract %slice3A_277[0, 0] : i32 from vector<1x1xi32>
    %ge3A_279 = vector.broadcast %squeeze3A_278 : i32 to vector<1x32xi32>
    %ge3A_280 = arith.cmpi sge, %mul3A_276, %ge3A_279 : vector<1x32xi32>
    %convert_element_type3A_281 = arith.extui %ge3A_280 : vector<1x32xi1> to vector<1x32xi32>
    %add3A_282 = arith.addi %add3A_273, %convert_element_type3A_281 : vector<1x32xi32>
    %mul3A_283 = arith.constant 256 : i32
    %mul3A_284 = vector.broadcast %mul3A_283 : i32 to vector<1x32xi32>
    %mul3A_285 = arith.muli %iota3A_245, %mul3A_284 : vector<1x32xi32>
    %slice3A_286 = vector.extract_strided_slice %add3A_187 {offsets = [0, 4], sizes = [1, 1], strides = [1, 1]} : vector<1x8xi32> to vector<1x1xi32>
    %squeeze3A_287 = vector.extract %slice3A_286[0, 0] : i32 from vector<1x1xi32>
    %ge3A_288 = vector.broadcast %squeeze3A_287 : i32 to vector<1x32xi32>
    %ge3A_289 = arith.cmpi sge, %mul3A_285, %ge3A_288 : vector<1x32xi32>
    %convert_element_type3A_290 = arith.extui %ge3A_289 : vector<1x32xi1> to vector<1x32xi32>
    %add3A_291 = arith.addi %add3A_282, %convert_element_type3A_290 : vector<1x32xi32>
    %mul3A_292 = arith.constant 256 : i32
    %mul3A_293 = vector.broadcast %mul3A_292 : i32 to vector<1x32xi32>
    %mul3A_294 = arith.muli %iota3A_245, %mul3A_293 : vector<1x32xi32>
    %slice3A_295 = vector.extract_strided_slice %add3A_187 {offsets = [0, 5], sizes = [1, 1], strides = [1, 1]} : vector<1x8xi32> to vector<1x1xi32>
    %squeeze3A_296 = vector.extract %slice3A_295[0, 0] : i32 from vector<1x1xi32>
    %ge3A_297 = vector.broadcast %squeeze3A_296 : i32 to vector<1x32xi32>
    %ge3A_298 = arith.cmpi sge, %mul3A_294, %ge3A_297 : vector<1x32xi32>
    %convert_element_type3A_299 = arith.extui %ge3A_298 : vector<1x32xi1> to vector<1x32xi32>
    %add3A_300 = arith.addi %add3A_291, %convert_element_type3A_299 : vector<1x32xi32>
    %mul3A_301 = arith.constant 256 : i32
    %mul3A_302 = vector.broadcast %mul3A_301 : i32 to vector<1x32xi32>
    %mul3A_303 = arith.muli %iota3A_245, %mul3A_302 : vector<1x32xi32>
    %slice3A_304 = vector.extract_strided_slice %add3A_187 {offsets = [0, 6], sizes = [1, 1], strides = [1, 1]} : vector<1x8xi32> to vector<1x1xi32>
    %squeeze3A_305 = vector.extract %slice3A_304[0, 0] : i32 from vector<1x1xi32>
    %ge3A_306 = vector.broadcast %squeeze3A_305 : i32 to vector<1x32xi32>
    %ge3A_307 = arith.cmpi sge, %mul3A_303, %ge3A_306 : vector<1x32xi32>
    %convert_element_type3A_308 = arith.extui %ge3A_307 : vector<1x32xi1> to vector<1x32xi32>
    %add3A_309 = arith.addi %add3A_300, %convert_element_type3A_308 : vector<1x32xi32>
    %mul3A_310 = arith.constant 256 : i32
    %mul3A_311 = vector.broadcast %mul3A_310 : i32 to vector<1x32xi32>
    %mul3A_312 = arith.muli %iota3A_245, %mul3A_311 : vector<1x32xi32>
    %slice3A_313 = vector.extract_strided_slice %add3A_187 {offsets = [0, 7], sizes = [1, 1], strides = [1, 1]} : vector<1x8xi32> to vector<1x1xi32>
    %squeeze3A_314 = vector.extract %slice3A_313[0, 0] : i32 from vector<1x1xi32>
    %ge3A_315 = vector.broadcast %squeeze3A_314 : i32 to vector<1x32xi32>
    %ge3A_316 = arith.cmpi sge, %mul3A_312, %ge3A_315 : vector<1x32xi32>
    %convert_element_type3A_317 = arith.extui %ge3A_316 : vector<1x32xi1> to vector<1x32xi32>
    %add3A_318 = arith.addi %add3A_309, %convert_element_type3A_317 : vector<1x32xi32>
    %min3A = vector.broadcast %reduce_max3A_219 : i32 to vector<1x32xi32>
    %min3A_319 = arith.minsi %add3A_318, %min3A : vector<1x32xi32>
    %eq3A_320 = arith.constant 24 : i32
    %eq3A_321 = vector.broadcast %eq3A_320 : i32 to vector<1x32xi32>
    %eq3A_322 = arith.cmpi eq, %iota3A_245, %eq3A_321 : vector<1x32xi32>
    %broadcast_in_dim3A_323 = vector.broadcast %select_n3A_244 : i32 to vector<1x32xi32>
    %select_n3A_324 = arith.select %eq3A_322, %broadcast_in_dim3A_323, %min3A_319 : vector<1x32xi1>, vector<1x32xi32>
    %swap3A_325 = arith.constant 0 : index
    %swap3A_326 = arith.constant 0 : index
    %swap3A_327 = vector.load %arg6[%swap3A_325, %swap3A_326] : memref<1x32xi32, #tpu.memory_space<vmem>>, vector<1x32xi32>
    tpu.vector_store %arg6[%swap3A_325, %swap3A_326], %select_n3A_324 {strides = array<i32>} : memref<1x32xi32, #tpu.memory_space<vmem>>, vector<1x32xi32>,
    return
  }
}

module attributes {stable_mosaic.version = 14 : i64} {
  func.func @_expert_body(%arg0: i32, %arg1: memref<32xi32, #tpu.memory_space<smem>>, %arg2: memref<256x768xf32, #tpu.memory_space<vmem>>, %arg3: memref<1x256x1xf32, #tpu.memory_space<vmem>>, %arg4: memref<1x768x1024xf32, #tpu.memory_space<vmem>>, %arg5: memref<1x768x1024xf32, #tpu.memory_space<vmem>>, %arg6: memref<1x1024x768xf32, #tpu.memory_space<vmem>>, %arg7: memref<256x768xf32, #tpu.memory_space<vmem>>) attributes {dimension_semantics = [#tpu.dimension_semantics<arbitrary>], iteration_bounds = array<i64: 24>, scalar_prefetch = 1 : i64, scratch_operands = 0 : i64, tpu.core_type = #tpu.core_type<tc>, window_params = [{transform_indices = @transform_0, window_bounds = array<i64: 256, 768>}, {transform_indices = @transform_1, window_bounds = array<i64: 1, 256, 1>}, {transform_indices = @transform_2, window_bounds = array<i64: 1, 768, 1024>}, {transform_indices = @transform_3, window_bounds = array<i64: 1, 768, 1024>}, {transform_indices = @transform_4, window_bounds = array<i64: 1, 1024, 768>}, {transform_indices = @transform_5, window_bounds = array<i64: 256, 768>}]} {
    %get3A = arith.constant 24 : index
    %get3A_0 = memref.load %arg1[%get3A] : memref<32xi32, #tpu.memory_space<smem>>
    %lt3A = arith.cmpi slt, %arg0, %get3A_0 : i32
    %convert_element_type3A = arith.extui %lt3A : i1 to i32
    %cond3A = arith.constant 0 : i32
    %cond3A_1 = arith.cmpi ne, %convert_element_type3A, %cond3A : i32
    scf.if %cond3A_1 {
      %get3A_2 = arith.constant 0 : index
      %get3A_3 = arith.constant 0 : index
      %get3A_4 = vector.load %arg2[%get3A_2, %get3A_3] : memref<256x768xf32, #tpu.memory_space<vmem>>, vector<256x768xf32>
      %convert_element_type3A_5 = arith.truncf %get3A_4 : vector<256x768xf32> to vector<256x768xbf16>
      %get3A_6 = arith.constant 0 : index
      %get3A_7 = arith.constant 0 : index
      %get3A_8 = arith.constant 0 : index
      %get3A_9 = vector.load %arg4[%get3A_6, %get3A_7, %get3A_8] : memref<1x768x1024xf32, #tpu.memory_space<vmem>>, vector<1x768x1024xf32>
      %get3A_10 = vector.shape_cast %get3A_9 : vector<1x768x1024xf32> to vector<768x1024xf32>
      %convert_element_type3A_11 = arith.truncf %get3A_10 : vector<768x1024xf32> to vector<768x1024xbf16>
      %dot_general3A = arith.constant dense<0.000000e+00> : vector<256x1024xf32>
      %dot_general3A_12 = tpu.matmul %convert_element_type3A_5, %convert_element_type3A_11, %dot_general3A {dimension_numbers = #tpu.dot_dimension_numbers<[1], [0], [0], [1], [0, 0, 1, 1], [], []>, transpose_lhs_hint = false} : vector<256x768xbf16>, vector<768x1024xbf16>, vector<256x1024xf32> -> vector<256x1024xf32>
      %convert_element_type3A_13 = arith.truncf %dot_general3A_12 : vector<256x1024xf32> to vector<256x1024xbf16>
      %get3A_14 = arith.constant 0 : index
      %get3A_15 = arith.constant 0 : index
      %get3A_16 = arith.constant 0 : index
      %get3A_17 = vector.load %arg5[%get3A_14, %get3A_15, %get3A_16] : memref<1x768x1024xf32, #tpu.memory_space<vmem>>, vector<1x768x1024xf32>
      %get3A_18 = vector.shape_cast %get3A_17 : vector<1x768x1024xf32> to vector<768x1024xf32>
      %convert_element_type3A_19 = arith.truncf %get3A_18 : vector<768x1024xf32> to vector<768x1024xbf16>
      %dot_general3A_20 = arith.constant dense<0.000000e+00> : vector<256x1024xf32>
      %dot_general3A_21 = tpu.matmul %convert_element_type3A_5, %convert_element_type3A_19, %dot_general3A_20 {dimension_numbers = #tpu.dot_dimension_numbers<[1], [0], [0], [1], [0, 0, 1, 1], [], []>, transpose_lhs_hint = false} : vector<256x768xbf16>, vector<768x1024xbf16>, vector<256x1024xf32> -> vector<256x1024xf32>
      %convert_element_type3A_22 = arith.truncf %dot_general3A_21 : vector<256x1024xf32> to vector<256x1024xbf16>
      %integer_pow3A = arith.mulf %convert_element_type3A_13, %convert_element_type3A_13 : vector<256x1024xbf16>
      %integer_pow3A_23 = arith.mulf %convert_element_type3A_13, %integer_pow3A : vector<256x1024xbf16>
      %mul3A = arith.constant 4.467770e-02 : bf16
      %mul3A_24 = vector.broadcast %mul3A : bf16 to vector<256x1024xbf16>
      %mul3A_25 = arith.mulf %mul3A_24, %integer_pow3A_23 : vector<256x1024xbf16>
      %add3A = arith.addf %convert_element_type3A_13, %mul3A_25 : vector<256x1024xbf16>
      %mul3A_26 = arith.constant 7.968750e-01 : bf16
      %mul3A_27 = vector.broadcast %mul3A_26 : bf16 to vector<256x1024xbf16>
      %mul3A_28 = arith.mulf %mul3A_27, %add3A : vector<256x1024xbf16>
      %tanh3A = math.tanh %mul3A_28 : vector<256x1024xbf16>
      %add3A_29 = arith.constant 1.000000e+00 : bf16
      %add3A_30 = vector.broadcast %add3A_29 : bf16 to vector<256x1024xbf16>
      %add3A_31 = arith.addf %add3A_30, %tanh3A : vector<256x1024xbf16>
      %mul3A_32 = arith.constant 5.000000e-01 : bf16
      %mul3A_33 = vector.broadcast %mul3A_32 : bf16 to vector<256x1024xbf16>
      %mul3A_34 = arith.mulf %mul3A_33, %add3A_31 : vector<256x1024xbf16>
      %mul3A_35 = arith.mulf %convert_element_type3A_13, %mul3A_34 : vector<256x1024xbf16>
      %mul3A_36 = arith.mulf %mul3A_35, %convert_element_type3A_22 : vector<256x1024xbf16>
      %get3A_37 = arith.constant 0 : index
      %get3A_38 = arith.constant 0 : index
      %get3A_39 = arith.constant 0 : index
      %get3A_40 = vector.load %arg6[%get3A_37, %get3A_38, %get3A_39] : memref<1x1024x768xf32, #tpu.memory_space<vmem>>, vector<1x1024x768xf32>
      %get3A_41 = vector.shape_cast %get3A_40 : vector<1x1024x768xf32> to vector<1024x768xf32>
      %convert_element_type3A_42 = arith.truncf %get3A_41 : vector<1024x768xf32> to vector<1024x768xbf16>
      %dot_general3A_43 = arith.constant dense<0.000000e+00> : vector<256x768xf32>
      %dot_general3A_44 = tpu.matmul %mul3A_36, %convert_element_type3A_42, %dot_general3A_43 {dimension_numbers = #tpu.dot_dimension_numbers<[1], [0], [0], [1], [0, 0, 1, 1], [], []>, transpose_lhs_hint = false} : vector<256x1024xbf16>, vector<1024x768xbf16>, vector<256x768xf32> -> vector<256x768xf32>
      %get3A_45 = arith.constant 0 : index
      %get3A_46 = arith.constant 0 : index
      %get3A_47 = arith.constant 0 : index
      %get3A_48 = vector.load %arg3[%get3A_45, %get3A_46, %get3A_47] : memref<1x256x1xf32, #tpu.memory_space<vmem>>, vector<1x256x1xf32>
      %get3A_49 = vector.shape_cast %get3A_48 : vector<1x256x1xf32> to vector<256x1xf32>
      %mul3A_50 = vector.broadcast %get3A_49 : vector<256x1xf32> to vector<256x768xf32>
      %mul3A_51 = arith.mulf %dot_general3A_44, %mul3A_50 : vector<256x768xf32>
      %swap3A = arith.constant 0 : index
      %swap3A_52 = arith.constant 0 : index
      %swap3A_53 = vector.load %arg7[%swap3A, %swap3A_52] : memref<256x768xf32, #tpu.memory_space<vmem>>, vector<256x768xf32>
      tpu.vector_store %arg7[%swap3A, %swap3A_52], %mul3A_51 {strides = array<i32>} : memref<256x768xf32, #tpu.memory_space<vmem>>, vector<256x768xf32>,
    } else {
    }
    return
  }
  func.func @transform_0(%arg0: i32, %arg1: memref<32xi32, #tpu.memory_space<smem>>) -> (i32, i32) {
    %c0_i32 = arith.constant 0 : i32
    %c0_i32_0 = arith.constant 0 : i32
    return %arg0, %c0_i32 : i32, i32
  }
  func.func @transform_1(%arg0: i32, %arg1: memref<32xi32, #tpu.memory_space<smem>>) -> (i32, i32, i32) {
    %c0_i32 = arith.constant 0 : i32
    %c0_i32_0 = arith.constant 0 : i32
    %c0_i32_1 = arith.constant 0 : i32
    return %arg0, %c0_i32, %c0_i32_0 : i32, i32, i32
  }
  func.func @transform_2(%arg0: i32, %arg1: memref<32xi32, #tpu.memory_space<smem>>) -> (i32, i32, i32) {
    %get3A = arith.index_cast %arg0 : i32 to index
    %get3A_0 = memref.load %arg1[%get3A] : memref<32xi32, #tpu.memory_space<smem>>
    %c0_i32 = arith.constant 0 : i32
    %c0_i32_1 = arith.constant 0 : i32
    %c0_i32_2 = arith.constant 0 : i32
    return %get3A_0, %c0_i32, %c0_i32_1 : i32, i32, i32
  }
  func.func @transform_3(%arg0: i32, %arg1: memref<32xi32, #tpu.memory_space<smem>>) -> (i32, i32, i32) {
    %get3A = arith.index_cast %arg0 : i32 to index
    %get3A_0 = memref.load %arg1[%get3A] : memref<32xi32, #tpu.memory_space<smem>>
    %c0_i32 = arith.constant 0 : i32
    %c0_i32_1 = arith.constant 0 : i32
    %c0_i32_2 = arith.constant 0 : i32
    return %get3A_0, %c0_i32, %c0_i32_1 : i32, i32, i32
  }
  func.func @transform_4(%arg0: i32, %arg1: memref<32xi32, #tpu.memory_space<smem>>) -> (i32, i32, i32) {
    %get3A = arith.index_cast %arg0 : i32 to index
    %get3A_0 = memref.load %arg1[%get3A] : memref<32xi32, #tpu.memory_space<smem>>
    %c0_i32 = arith.constant 0 : i32
    %c0_i32_1 = arith.constant 0 : i32
    %c0_i32_2 = arith.constant 0 : i32
    return %get3A_0, %c0_i32, %c0_i32_1 : i32, i32, i32
  }
  func.func @transform_5(%arg0: i32, %arg1: memref<32xi32, #tpu.memory_space<smem>>) -> (i32, i32) {
    %c0_i32 = arith.constant 0 : i32
    %c0_i32_0 = arith.constant 0 : i32
    return %arg0, %c0_i32 : i32, i32
  }
}

module attributes {stable_mosaic.version = 14 : i64} {
  func.func @_combine_body(%arg0: i32, %arg1: memref<512x1536xf32, #tpu.memory_space<vmem>>, %arg2: memref<512x768xf32, #tpu.memory_space<vmem>>) attributes {dimension_semantics = [#tpu.dimension_semantics<arbitrary>], iteration_bounds = array<i64: 4>, scalar_prefetch = 0 : i64, scratch_operands = 0 : i64, tpu.core_type = #tpu.core_type<tc>, window_params = [{transform_indices = @transform_0, window_bounds = array<i64: 512, 1536>}, {transform_indices = @transform_1, window_bounds = array<i64: 512, 768>}]} {
    %get3A = arith.constant 0 : index
    %get3A_0 = arith.constant 0 : index
    %get3A_1 = vector.load %arg1[%get3A, %get3A_0] : memref<512x1536xf32, #tpu.memory_space<vmem>>, vector<512x768xf32>
    %get3A_2 = arith.constant 0 : index
    %get3A_3 = arith.constant 768 : index
    %get3A_4 = vector.load %arg1[%get3A_2, %get3A_3] : memref<512x1536xf32, #tpu.memory_space<vmem>>, vector<512x768xf32>
    %add3A = arith.addf %get3A_1, %get3A_4 : vector<512x768xf32>
    %swap3A = arith.constant 0 : index
    %swap3A_5 = arith.constant 0 : index
    %swap3A_6 = vector.load %arg2[%swap3A, %swap3A_5] : memref<512x768xf32, #tpu.memory_space<vmem>>, vector<512x768xf32>
    tpu.vector_store %arg2[%swap3A, %swap3A_5], %add3A {strides = array<i32>} : memref<512x768xf32, #tpu.memory_space<vmem>>, vector<512x768xf32>,
    return
  }
  func.func @transform_0(%arg0: i32) -> (i32, i32) {
    %c0_i32 = arith.constant 0 : i32
    %c0_i32_0 = arith.constant 0 : i32
    return %arg0, %c0_i32 : i32, i32
  }
  func.func @transform_1(%arg0: i32) -> (i32, i32) {
    %c0_i32 = arith.constant 0 : i32
    %c0_i32_0 = arith.constant 0 : i32
    return %arg0, %c0_i32 : i32, i32
  }
}

</mosaic_0001>

<sc_bundles>
// kernel: kernel.10.cloned.1.call-start
scs
__scs_entry_jumppad:
0x0: {  	(pc) =	sbr.rel $0x88, $3  }
0x1: {  	(tag) =	ssettag $0x0;
	lr =	simm.s32 $0x1  }
0x2: {  	[smem:$0x3F99] =	sst lr;
	_ =	strace $0xD0000000  }
0x3: {  	_ = 	snop  }
0x4: {  	_ = 	snop  }
0x5: {  	_ = 	snop  }
0x6: {  	_ = 	snop  }
0x7: {  	_ = 	snop  }
__scs_overlays_trampoline_lowered:
0x8: {  	[smem:$0x3FA8] =	sst s0  }
0x9: {  	[smem:$0x3FA9] =	sst s1  }
0xa: {  	[smem:$0x3FAA] =	sst s2  }
0xb: {  	[smem:$0x3FAB] =	sst s3  }
0xc: {  	[smem:$0x3FAC] =	sst s4  }
0xd: {  	[smem:$0x3FAD] =	sst s5  }
0xe: {  	[smem:$0x3FAE] =	sst s6  }
0xf: {  	[smem:$0x3FAF] =	sst s7  }
0x10: {  	[smem:$0x3FB0] =	sst s8  }
0x11: {  	[smem:$0x3FB1] =	sst s9;
	s0 =	simm.s32 @!p0 $0x0  }
0x12: {  	s1 =	sld [smem:$0x3F97];
	s0 =	simm.s32 @p0 $0x1  }
0x13: {  	[smem:$0x3FB2] =	sst s0;
	s0 =	simm.s32 @!p1 $0x0  }
0x14: {  	s2 =	sld [smem:$0x3F96];
	s0 =	simm.s32 @p1 $0x1  }
0x15: {  	[smem:$0x3FB3] =	sst s0;
	s0 =	simm.s32 @!p2 $0x0  }
0x16: {  	s3 =	sld [smem:$0x3FDB];
	s0 =	simm.s32 @p2 $0x1  }
0x17: {  	s4 =	simm.s32 $0x1BF5;
	[smem:$0x3FB5] =	sst s0  }
0x18: {  	s0 =	sld [smem:$0x3F98];
	_ =	swait.ge [sflag:s4], $0x0  }
0x19: {  	s7 =	sld [smem:$0x3F99]  }
0x1a: {  	s8 =	sadd.s32 $0xFFFFE003, lr  }
0x1b: {  	s9 =	sadd.s32 $0xFFFFFEF7, lr;
	s5 =	simm.s32 $0xFFFFFFFF;
	p2 =	slt.u32 s8, $0xFFFFF086  }
0x1c: {  	p1 =	slt.u32 s9, $0xF7A;
	s5 =	simm.s32 @!p2 $0x0  }
0x1d: {  	s5 =	simm.s32 @p1 $0x1;
	p0 =	seq.s32 s7, s2  }
0x1e: {  	s7 =	smul.u32 @!p0 $0xF7A, s2;
	p2 =	seq.s32 @!p0 s5, $0x0  }
0x1f: {  	s9 =	smul.u32 $0xF7A, s1;
	s8 =	simm.s32 @!p0 $0x1BF5;
	p2 =	por !p2, p0  }
0x20: {  	[sflag:s8] =	ssyncset.s32 @!p0 $0xFFFFF086;
	s6 =	sadd.s32 @!p0 s3, s7;
	s7 =	simm.s32 @!p0 $0x108  }
0x21: {  	s3 =	sadd.s32 s3, s9;
	s6 =	sadd.s32 @!p0 $0x88, s6;
	s7 =	simm.s32 @p2 $0x1082  }
0x22: {  	[simem:s7], [sflag:s8] =	dma.local @!p0 [hbm:s6], $0xF7A  }
0x23: {  	s9 =	sor.u32 $0xD0000000, s2;
	s6 =	simm.s32 $0x108;
	_ =	swait.ge @!p0 [sflag:s8], $0x0  }
0x24: {  	s3 =	sadd.s32 $0x88, s3;
	s6 =	simm.s32 @!p1 $0x1082;
	[sflag:s4] =	ssyncset.s32 $0xFFFFF086  }
0x25: {  	[simem:s6], [sflag:s4] =	dma.local [hbm:s3], $0xF7A  }
0x26: {  	[smem:$0x3F99] =	sst s1;
	(tag) =	ssettag s2;
	_ =	strace s9  }
0x27: {  	s1 =	sld [smem:$0x3FA9]  }
0x28: {  	s2 =	sld [smem:$0x3FAA]  }
0x29: {  	s4 =	sld [smem:$0x3FAC]  }
0x2a: {  	p0 =	seq.s32 s5, $0x0;
	s5 =	sld [smem:$0x3FAD]  }
0x2b: {  	s6 =	sld [smem:$0x3FAE]  }
0x2c: {  	s7 =	sld [smem:$0x3FAF]  }
0x2d: {  	s3 =	simm.s32 $0x108;
	s8 =	sld [smem:$0x3FB0]  }
0x2e: {  	s3 =	simm.s32 @!p0 $0x1082;
	s9 =	sld [smem:$0x3FB1]  }
0x2f: {  	lr =	sadd.s32 s0, s3;
	s0 =	sld [smem:$0x3FA8]  }
0x30: {  	s3 =	sld [smem:$0x3FAB]  }
0x31: {  	[smem:$0x3FB4] =	sst s10  }
0x32: {  	s10 =	sld [smem:$0x3FB2];
	_ =	sdelay $0x3  }
0x33: {  	p0 =	seq.s32 s10, $0x1;
	s10 =	sld [smem:$0x3FB4];
	_ =	sdelay $0x3  }
0x34: {  	[smem:$0x3FB4] =	sst s10  }
0x35: {  	s10 =	sld [smem:$0x3FB3];
	_ =	sdelay $0x3  }
0x36: {  	p1 =	seq.s32 s10, $0x1;
	s10 =	sld [smem:$0x3FB4];
	_ =	sdelay $0x3  }
0x37: {  	[smem:$0x3FB4] =	sst s10  }
0x38: {  	s10 =	sld [smem:$0x3FB5]  }
0x39: {  	_ = 	snop;
	(pc) =	sbr.ind lr, $3  }
0x3a: {  	_ = 	snop  }
0x3b: {  	_ = 	snop  }
0x3c: {  	p2 =	seq.s32 s10, $0x1;
	s10 =	sld [smem:$0x3FB4]  }
0x3d: {  	_ =	shalt  }
0x3e: {  	_ =	shalt  }
0x3f: {  	_ =	shalt  }
0x40: {  	_ =	shalt  }
0x41: {  	_ =	shalt  }
0x42: {  	_ =	shalt  }
0x43: {  	_ =	shalt  }
0x44: {  	_ =	shalt  }
0x45: {  	_ =	shalt  }
0x46: {  	_ =	shalt  }
0x47: {  	_ =	shalt  }
0x48: {  	_ =	shalt  }
0x49: {  	_ =	shalt  }
0x4a: {  	_ =	shalt  }
0x4b: {  	_ =	shalt  }
0x4c: {  	_ =	shalt  }
0x4d: {  	_ =	shalt  }
0x4e: {  	_ =	shalt  }
0x4f: {  	_ =	shalt  }
0x50: {  	_ =	shalt  }
0x51: {  	_ =	shalt  }
0x52: {  	_ =	shalt  }
0x53: {  	_ =	shalt  }
0x54: {  	_ =	shalt  }
0x55: {  	_ =	shalt  }
0x56: {  	_ =	shalt  }
0x57: {  	_ =	shalt  }
0x58: {  	_ =	shalt  }
0x59: {  	_ =	shalt  }
0x5a: {  	_ =	shalt  }
0x5b: {  	_ =	shalt  }
0x5c: {  	_ =	shalt  }
0x5d: {  	_ =	shalt  }
0x5e: {  	_ =	shalt  }
0x5f: {  	_ =	shalt  }
0x60: {  	_ =	shalt  }
0x61: {  	_ =	shalt  }
0x62: {  	_ =	shalt  }
0x63: {  	_ =	shalt  }
0x64: {  	_ =	shalt  }
0x65: {  	_ =	shalt  }
0x66: {  	_ =	shalt  }
0x67: {  	_ =	shalt  }
0x68: {  	_ =	shalt  }
0x69: {  	_ =	shalt  }
0x6a: {  	_ =	shalt  }
0x6b: {  	_ =	shalt  }
0x6c: {  	_ =	shalt  }
0x6d: {  	_ =	shalt  }
0x6e: {  	_ =	shalt  }
0x6f: {  	_ =	shalt  }
0x70: {  	_ =	shalt  }
0x71: {  	_ =	shalt  }
0x72: {  	_ =	shalt  }
0x73: {  	_ =	shalt  }
0x74: {  	_ =	shalt  }
0x75: {  	_ =	shalt  }
0x76: {  	_ =	shalt  }
0x77: {  	_ =	shalt  }
0x78: {  	_ =	shalt  }
0x79: {  	_ =	shalt  }
0x7a: {  	_ =	shalt  }
0x7b: {  	_ =	shalt  }
0x7c: {  	_ =	shalt  }
0x7d: {  	_ =	shalt  }
0x7e: {  	_ =	shalt  }
0x7f: {  	_ =	shalt  }
0x80: {  	_ =	shalt  }
0x81: {  	_ =	shalt  }
0x82: {  	_ =	shalt  }
0x83: {  	_ =	shalt  }
0x84: {  	_ =	shalt  }
0x85: {  	_ =	shalt  }
0x86: {  	_ =	shalt  }
0x87: {  	_ =	shalt  }
.Lfunc_end0:
.L_simem_size_0:
called_computation.1_lowered:
.L_overlay_start_0:
0x88: {  	s2 =	sld [smem:$0x3FD9]  }
0x89: {  	s3 =	sld [smem:$0x3FFE];
	_ =	sdelay $0x1  }
0x8a: {  	s1 =	srdreg.scid  }
0x8b: {  	s0 =	sand.u32 $0x1, s1  }
0x8c: {  	s16 =	sshll.u32 s0, $0xA;
	s2 =	sadd.s32 s3, s2  }
0x8d: {  	s2 =	sadd.s32 s2, s16  }
0x8e: {  	[smem:$0x3FC0] =	sst s2  }
0x8f: {  	_ = 	snop  }
0x90: {  	(tm) =	ssettm $0x1  }
0x91: {  	s17 =	sld [smem:$0x3FFB];
	_ =	sdelay $0x3  }
0x92: {  	_ =	strace s17  }
0x93: {  	s2 =	sld [smem:$0x3FFC];
	_ =	sdelay $0x3  }
0x94: {  	_ =	strace s2  }
0x95: {  	s2 =	sld [smem:$0x3FFD];
	_ =	sdelay $0x3  }
0x96: {  	_ =	strace s2  }
0x97: {  	_ =	strace $0x8FFFFFFF  }
0x98: {  	s18 =	sld [smem:$0x3FDB];
	_ =	sdelay $0x1  }
0x99: {  	s19 =	simm.s32 $_scs_section_size  }
0x9a: {  	s4 =	simm.s32 $_size__tile_overlayer_lowered;
	s5 =	simm.s32 $_tile_overlayer_lowered  }
0x9b: {  	s22 =	simm.s32 $0x1BFF;
	s21 =	sshll.u32 s5, $0x1;
	s2 =	sadd.s32 s19, s18  }
0x9c: {  	s6 =	simm.s32 $0x0;
	s20 =	sshll.u32 s4, $0x1;
	s4 =	sadd.s32 s21, s2  }
0x9d: {  	[timem:s6], [sflag:s22] =	dma.local [hbm:s4], s20  }
0x9e: {  	_ =	swait.ge [sflag:s22], s20  }
0x9f: {  	s3 =	ssub.s32 $0x0, s20;
	[sflag:s22] =	ssyncset.done $0x0  }
0xa0: {  	[sflag:s22] =	ssyncadd.s32 s3;
	_ =	sdelay $0x1  }
0xa1: {  	s23 =	simm.s32 $0x1B8B  }
0xa2: {  	_ =	swait.ge [sflag:s23], $0x1  }
0xa3: {  	[sflag:s23] =	ssyncset.done $0x0  }
0xa4: {  	s25 =	simm.s32 $0x1B8E;
	s24 =	sld [smem:$0x3FFE];
	[sflag:s23] =	ssyncadd.s32 $0xFFFFFFFF  }
0xa5: {  	s26 =	simm.s32 $execute0_lowered;
	[smem:$0x3FD2] =	sst s25  }
0xa6: {  	s4 =	sshll.u32 s26, $0x1;
	_ =	strace $0x80000049;
	[dreg:$0x1] =	wrdreg $0xFFFFFFFF  }
0xa7: {  	s28 =	simm.s32 $_size_execute0_lowered;
	s2 =	sadd.s32 s2, s4;
	[dreg:$0x0] =	wrdreg $0x0  }
0xa8: {  	s4 =	sshll.u32 s28, $0x1;
	[dreg:$0x2] =	wrdreg s2  }
0xa9: {  	[dreg:$0x3] =	wrdreg s4  }
0xaa: {  	[dreg:$0x4] =	wrdreg $0xC0  }
0xab: {  	_ =	task [dreg:s6], $0x5FFFF  }
0xac: {  	[dreg:$0x1] =	wrdreg $0xFFFFFFFF  }
0xad: {  	[dreg:$0x0] =	wrdreg $0x60  }
0xae: {  	[dreg:$0x2] =	wrdreg s24  }
0xaf: {  	[dreg:$0x3] =	wrdreg $0x9  }
0xb0: {  	_ =	task.clear_ibuf [dreg:s6], $0x4FFFF;
	_ =	strace $0x90000049  }
0xb1: {  	s29 =	simm.s32 $0x9;
	_ =	strace $0x8000004B  }
0xb2: {  	_ =	swait.ge [sflag:s29], $0x1  }
0xb3: {  	[sflag:s29] =	ssyncadd.s32 $0xFFFFFFFF  }
0xb4: {  	_ =	strace $0x9000004B  }
0xb5: {  	_ =	sfence  }
0xb6: {  	s30 =	sld [smem:$0x0];
	_ =	sdelay $0x2  }
0xb7: {  	s31 =	sshll.u32 s1, $0xD;
	s1 =	sshrl.u32 s1, $0x2  }
0xb8: {  	s3 =	sand.u32 $0x4000, s31;
	s1 =	sadd.s32 s1, s30  }
0xb9: {  	s0 =	sor.u32 s3, s0;
	s1 =	sshll.u32 s1, $0x11  }
0xba: {  	s0 =	sor.u32 s1, s0  }
0xbb: {  	s0 =	sadd.s32 $0x8F2B, s0  }
0xbc: {  	[sflag:s0] =	ssyncadd.remote.s32 $0x1  }
0xbd: {  	_ =	sfence.sel $0xFFFF  }
0xbe: {  	[dreg:$0x0] =	wrdreg $0xFFFFFFFF;
	(pc) =	sbr.abs _section_cstart, $3  }
0xbf: {  	[dreg:$0x1] =	wrdreg $0xFFFFFFFF  }
0xc0: {  	_ =	task.clear_ibuf [dreg:s6], $0x2FFFF;
	_ =	strace $0x9FFFFFFF  }
0xc1: {  	(tm) =	ssettm $0x7FFFFFFF  }
tec
execute0_lowered:
.L_overlay_start_1:
0x0: {  	(tag) =	ssettag $0x1  }
0x1: {  	s1 =	srdreg.scid  }
0x2: {  	s0 =	stileid.u32;
	s1 =	sand.u32 $0x1, s1  }
0x3: {  	s2 =	sshll.u32 s0, $0x5;
	s3 =	sshll.u32 s1, $0x4  }
0x4: {  	s5 =	rddreg [dreg:$0x0];
	s3 =	sor.u32 s3, s2;
	s2 =	simm.s32 $0x0  }
0x5: {  	s26 =	simm.s32 $0x880;
	[smem:$0x7FF] =	sst s2  }
0x6: {  	s0 =	simm.s32 $0x1080;
	_ =	strace $0x8000004A;
	[dreg:$0x4] =	wrdreg s26  }
0x7: {  	s6 =	simm.s32 $0x2080;
	[dreg:$0x5] =	wrdreg s0  }
0x8: {  	s7 =	simm.s32 $0x2880;
	[dreg:$0x7] =	wrdreg s6  }
0x9: {  	s8 =	simm.s32 $0x3080;
	[dreg:$0x8] =	wrdreg s7  }
0xa: {  	s9 =	simm.s32 $0x3880;
	[dreg:$0x9] =	wrdreg s8  }
0xb: {  	s10 =	simm.s32 $0x4080;
	[dreg:$0xa] =	wrdreg s9  }
0xc: {  	s11 =	simm.s32 $0x4880;
	[dreg:$0xb] =	wrdreg s10  }
0xd: {  	s12 =	simm.s32 $0x5080;
	[dreg:$0xc] =	wrdreg s11  }
0xe: {  	s13 =	simm.s32 $0x5880;
	[dreg:$0xd] =	wrdreg s12  }
0xf: {  	s14 =	simm.s32 $0x6080;
	[dreg:$0xe] =	wrdreg s13  }
0x10: {  	s15 =	simm.s32 $0x6880;
	[dreg:$0xf] =	wrdreg s14  }
0x11: {  	s16 =	simm.s32 $0x7080;
	[dreg:$0x10] =	wrdreg s15  }
0x12: {  	s17 =	simm.s32 $0x7880;
	s18 =	simm.s32 $0x8080;
	[dreg:$0x11] =	wrdreg s16  }
0x13: {  	s19 =	simm.s32 $0x8880;
	s20 =	simm.s32 $0x9080;
	[dreg:$0x12] =	wrdreg s17  }
0x14: {  	s21 =	simm.s32 $0x9880;
	s22 =	simm.s32 $0xA080;
	[dreg:$0x13] =	wrdreg s18  }
0x15: {  	s23 =	simm.s32 $0xA880;
	s24 =	simm.s32 $0xB880;
	[dreg:$0x14] =	wrdreg s19  }
0x16: {  	s28 =	simm.s32 $0x16080;
	s29 =	simm.s32 $0x16880;
	[dreg:$0x15] =	wrdreg s20  }
0x17: {  	s30 =	simm.s32 $0x17080;
	s31 =	simm.s32 $0x17880;
	[dreg:$0x16] =	wrdreg s21  }
0x18: {  	s4 =	smul.u32 $0x300, s3;
	s3 =	sadd.s32 s3, s5;
	[dreg:$0x17] =	wrdreg s22  }
0x19: {  	s1 =	ssub.s32 $0x2, s1;
	s3 =	sadd.s32 $0x1400, s3;
	[dreg:$0x18] =	wrdreg s23  }
0x1a: {  	s6 =	sshrl.u32 s1, $0x1;
	s7 =	simm.s32 $0xB080;
	[dreg:$0x1a] =	wrdreg s24  }
0x1b: {  	s8 =	simm.s32 $0x80;
	s26 =	simm.s32 $0xC880;
	s10 =	simm.s32 $0xD880  }
0x1c: {  	s11 =	simm.s32 $0xE080;
	s12 =	simm.s32 $0xE880;
	s13 =	simm.s32 $0xF080  }
0x1d: {  	s14 =	simm.s32 $0xF880;
	s15 =	simm.s32 $0x10080;
	s16 =	simm.s32 $0x10880  }
0x1e: {  	s17 =	simm.s32 $0x11080;
	s18 =	simm.s32 $0x11880;
	s19 =	simm.s32 $0x12080  }
0x1f: {  	s20 =	simm.s32 $0x12880;
	s21 =	simm.s32 $0x13080;
	s22 =	simm.s32 $0x13880  }
0x20: {  	s23 =	simm.s32 $0x14080;
	s24 =	simm.s32 $0x14880;
	[dreg:$0x2] =	wrdreg s3  }
0x21: {  	s4 =	sadd.s32 s4, s5;
	s3 =	sadd.s32 $0x1600, s5;
	[dreg:$0x19] =	wrdreg s7  }
0x22: {  	s1 =	ssub.s32 s1, s6;
	s7 =	simm.s32 $0x2;
	[dreg:$0x1c] =	wrdreg s26  }
0x23: {  	s26 =	simm.s32 $0x15880;
	s25 =	sadd.s32 $0x91600, s4;
	s4 =	simm.s32 $0x1880  }
0x24: {  	v2 =	vlaneseq.u32;
	s6 =	smax.u32 s1, $0x1;
	s1 =	simm.s32 $0x1;
	[dreg:$0x3] =	wrdreg s25  }
0x25: {  	vm0 =	vmmov $0xffff;
	v1 =	vshrl.u32 v2, $0x3;
	[dreg:$0x6] =	wrdreg s4;
	s4 =	sadd.s32 $0x1700, s5;
	s25 =	simm.s32 $0xC080  }
0x26: {  	v0 =	vand.u32 $0x7, v2;
	v2 =	vor.u32 $0x8, v2;
	v1 =	vmul.u32 $0x8, v1;
	s5 =	sadd.s32 $0x1800, s5;
	[dreg:$0x1b] =	wrdreg s25;
	s25 =	simm.s32 $0x15080  }
.LBB2_1:
0x27: {  	s0 =	rddreg [dreg:$0x2]  }
0x28: {  	[tilespmem:s2], [sflag:$0x2] =	stream.linear.gather [hbm4b:s0+s2], $0x80, $0x38;
	[tilespmem:$0x18080] =	vst v63  }
0x29: {  	_ =	swait.ge [sflag:s7], $0x80  }
0x2a: {  	[sflag:s7] =	ssyncset.done $0x0  }
0x2b: {  	[sflag:s7] =	ssyncadd.s32 $0xFFFFFF80  }
0x2c: {  	v3 =	vld [tilespmem:$0x0];
	_ =	sdelay $0x4  }
0x2d: {  	v4 =	vshrl.u32 v3, $0x3  }
0x2e: {  	v4 =	vmul.u32 $0x30, v4  }
0x2f: {  	v3 =	vand.u32 $0x7, v3  }
0x30: {  	v3 =	vor.u32 v3, v4  }
0x31: {  	v4 =	vperm.xlane v3, v0;
	_ =	sdelay $0x1  }
0x32: {  	v4 =	vadd.s32 v1, v4;
	_ =	sdelay $0x3  }
0x33: {  	v3 =	vperm.xlane v3, v2  }
0x34: {  	[tilespmem:s8], [sflag:$0x1] =	stream.indirect_vreg.gather [hbm4b:s3+s2], $0x80, v4, vm0, $0xb8;
	[tilespmem:$0x18080] =	vst v63  }
0x35: {  	s0 =	rddreg [dreg:$0x4];
	v3 =	vadd.s32 v1, v3  }
0x36: {  	[tilespmem:s0], [sflag:$0x1] =	stream.indirect_vreg.gather [hbm4b:s4+s2], $0x80, v4, vm0, $0xb8;
	[tilespmem:$0x18080] =	vst v63  }
0x37: {  	s9 =	rddreg [dreg:$0x5]  }
0x38: {  	[tilespmem:s9], [sflag:$0x1] =	stream.indirect_vreg.gather [hbm4b:s5+s2], $0x80, v4, vm0, $0xb8;
	[tilespmem:$0x18080] =	vst v63  }
0x39: {  	s0 =	rddreg [dreg:$0x6]  }
0x3a: {  	[tilespmem:s0], [sflag:$0x1] =	stream.indirect_vreg.gather [hbm4b:s3+s2], $0x80, v3, vm0, $0xb8;
	[tilespmem:$0x18080] =	vst v63  }
0x3b: {  	s9 =	rddreg [dreg:$0x7]  }
0x3c: {  	[tilespmem:s9], [sflag:$0x1] =	stream.indirect_vreg.gather [hbm4b:s4+s2], $0x80, v3, vm0, $0xb8;
	[tilespmem:$0x18080] =	vst v63  }
0x3d: {  	s0 =	rddreg [dreg:$0x8]  }
0x3e: {  	[tilespmem:s0], [sflag:$0x1] =	stream.indirect_vreg.gather [hbm4b:s5+s2], $0x80, v3, vm0, $0xb8;
	[tilespmem:$0x18080] =	vst v63  }
0x3f: {  	v3 =	vld [tilespmem:$0x10];
	_ =	sdelay $0x4  }
0x40: {  	v57 =	vshrl.u32 v3, $0x3  }
0x41: {  	v4 =	vmul.u32 $0x30, v57  }
0x42: {  	v3 =	vand.u32 $0x7, v3  }
0x43: {  	v3 =	vor.u32 v3, v4  }
0x44: {  	v4 =	vperm.xlane v3, v0;
	_ =	sdelay $0x1  }
0x45: {  	v4 =	vadd.s32 v1, v4;
	_ =	sdelay $0x3  }
0x46: {  	s0 =	rddreg [dreg:$0x9];
	v3 =	vperm.xlane v3, v2  }
0x47: {  	[tilespmem:s0], [sflag:$0x1] =	stream.indirect_vreg.gather [hbm4b:s3+s2], $0x80, v4, vm0, $0xb8;
	[tilespmem:$0x18080] =	vst v63  }
0x48: {  	s9 =	rddreg [dreg:$0xa];
	v3 =	vadd.s32 v1, v3  }
0x49: {  	[tilespmem:s9], [sflag:$0x1] =	stream.indirect_vreg.gather [hbm4b:s4+s2], $0x80, v4, vm0, $0xb8;
	[tilespmem:$0x18080] =	vst v63  }
0x4a: {  	s0 =	rddreg [dreg:$0xb]  }
0x4b: {  	[tilespmem:s0], [sflag:$0x1] =	stream.indirect_vreg.gather [hbm4b:s5+s2], $0x80, v4, vm0, $0xb8;
	[tilespmem:$0x18080] =	vst v63  }
0x4c: {  	s9 =	rddreg [dreg:$0xc]  }
0x4d: {  	[tilespmem:s9], [sflag:$0x1] =	stream.indirect_vreg.gather [hbm4b:s3+s2], $0x80, v3, vm0, $0xb8;
	[tilespmem:$0x18080] =	vst v63  }
0x4e: {  	s0 =	rddreg [dreg:$0xd]  }
0x4f: {  	[tilespmem:s0], [sflag:$0x1] =	stream.indirect_vreg.gather [hbm4b:s4+s2], $0x80, v3, vm0, $0xb8;
	[tilespmem:$0x18080] =	vst v63  }
0x50: {  	s9 =	rddreg [dreg:$0xe]  }
0x51: {  	[tilespmem:s9], [sflag:$0x1] =	stream.indirect_vreg.gather [hbm4b:s5+s2], $0x80, v3, vm0, $0xb8;
	[tilespmem:$0x18080] =	vst v63  }
0x52: {  	v3 =	vld [tilespmem:$0x20];
	_ =	sdelay $0x4  }
0x53: {  	v58 =	vshrl.u32 v3, $0x3  }
0x54: {  	v4 =	vmul.u32 $0x30, v58  }
0x55: {  	v3 =	vand.u32 $0x7, v3  }
0x56: {  	v3 =	vor.u32 v3, v4  }
0x57: {  	v4 =	vperm.xlane v3, v0;
	_ =	sdelay $0x1  }
0x58: {  	v4 =	vadd.s32 v1, v4;
	_ =	sdelay $0x3  }
0x59: {  	s0 =	rddreg [dreg:$0xf];
	v3 =	vperm.xlane v3, v2  }
0x5a: {  	[tilespmem:s0], [sflag:$0x1] =	stream.indirect_vreg.gather [hbm4b:s3+s2], $0x80, v4, vm0, $0xb8;
	[tilespmem:$0x18080] =	vst v63  }
0x5b: {  	s9 =	rddreg [dreg:$0x10];
	v3 =	vadd.s32 v1, v3  }
0x5c: {  	[tilespmem:s9], [sflag:$0x1] =	stream.indirect_vreg.gather [hbm4b:s4+s2], $0x80, v4, vm0, $0xb8;
	[tilespmem:$0x18080] =	vst v63  }
0x5d: {  	s0 =	rddreg [dreg:$0x11]  }
0x5e: {  	[tilespmem:s0], [sflag:$0x1] =	stream.indirect_vreg.gather [hbm4b:s5+s2], $0x80, v4, vm0, $0xb8;
	[tilespmem:$0x18080] =	vst v63  }
0x5f: {  	s9 =	rddreg [dreg:$0x12]  }
0x60: {  	[tilespmem:s9], [sflag:$0x1] =	stream.indirect_vreg.gather [hbm4b:s3+s2], $0x80, v3, vm0, $0xb8;
	[tilespmem:$0x18080] =	vst v63  }
0x61: {  	s0 =	rddreg [dreg:$0x13]  }
0x62: {  	[tilespmem:s0], [sflag:$0x1] =	stream.indirect_vreg.gather [hbm4b:s4+s2], $0x80, v3, vm0, $0xb8;
	[tilespmem:$0x18080] =	vst v63  }
0x63: {  	s9 =	rddreg [dreg:$0x14]  }
0x64: {  	[tilespmem:s9], [sflag:$0x1] =	stream.indirect_vreg.gather [hbm4b:s5+s2], $0x80, v3, vm0, $0xb8;
	[tilespmem:$0x18080] =	vst v63  }
0x65: {  	v3 =	vld [tilespmem:$0x30];
	_ =	sdelay $0x4  }
0x66: {  	v59 =	vshrl.u32 v3, $0x3  }
0x67: {  	v4 =	vmul.u32 $0x30, v59  }
0x68: {  	v3 =	vand.u32 $0x7, v3  }
0x69: {  	v3 =	vor.u32 v3, v4  }
0x6a: {  	v4 =	vperm.xlane v3, v0;
	_ =	sdelay $0x1  }
0x6b: {  	v4 =	vadd.s32 v1, v4;
	_ =	sdelay $0x3  }
0x6c: {  	s0 =	rddreg [dreg:$0x15];
	v3 =	vperm.xlane v3, v2  }
0x6d: {  	[tilespmem:s0], [sflag:$0x1] =	stream.indirect_vreg.gather [hbm4b:s3+s2], $0x80, v4, vm0, $0xb8;
	[tilespmem:$0x18080] =	vst v63  }
0x6e: {  	s9 =	rddreg [dreg:$0x16];
	v3 =	vadd.s32 v1, v3  }
0x6f: {  	[tilespmem:s9], [sflag:$0x1] =	stream.indirect_vreg.gather [hbm4b:s4+s2], $0x80, v4, vm0, $0xb8;
	[tilespmem:$0x18080] =	vst v63  }
0x70: {  	s0 =	rddreg [dreg:$0x17]  }
0x71: {  	[tilespmem:s0], [sflag:$0x1] =	stream.indirect_vreg.gather [hbm4b:s5+s2], $0x80, v4, vm0, $0xb8;
	[tilespmem:$0x18080] =	vst v63  }
0x72: {  	s9 =	rddreg [dreg:$0x18]  }
0x73: {  	[tilespmem:s9], [sflag:$0x1] =	stream.indirect_vreg.gather [hbm4b:s3+s2], $0x80, v3, vm0, $0xb8;
	[tilespmem:$0x18080] =	vst v63  }
0x74: {  	s0 =	rddreg [dreg:$0x19]  }
0x75: {  	[tilespmem:s0], [sflag:$0x1] =	stream.indirect_vreg.gather [hbm4b:s4+s2], $0x80, v3, vm0, $0xb8;
	[tilespmem:$0x18080] =	vst v63  }
0x76: {  	s9 =	rddreg [dreg:$0x1a]  }
0x77: {  	[tilespmem:s9], [sflag:$0x1] =	stream.indirect_vreg.gather [hbm4b:s5+s2], $0x80, v3, vm0, $0xb8;
	[tilespmem:$0x18080] =	vst v63  }
0x78: {  	v3 =	vld [tilespmem:$0x40];
	_ =	sdelay $0x4  }
0x79: {  	v60 =	vshrl.u32 v3, $0x3  }
0x7a: {  	v4 =	vmul.u32 $0x30, v60  }
0x7b: {  	v3 =	vand.u32 $0x7, v3  }
0x7c: {  	v3 =	vor.u32 v3, v4  }
0x7d: {  	v4 =	vperm.xlane v3, v0;
	_ =	sdelay $0x1  }
0x7e: {  	v4 =	vadd.s32 v1, v4;
	_ =	sdelay $0x3  }
0x7f: {  	s0 =	rddreg [dreg:$0x1b];
	v3 =	vperm.xlane v3, v2  }
0x80: {  	[tilespmem:s0], [sflag:$0x1] =	stream.indirect_vreg.gather [hbm4b:s3+s2], $0x80, v4, vm0, $0xb8;
	[tilespmem:$0x18080] =	vst v63  }
0x81: {  	s9 =	rddreg [dreg:$0x1c];
	v3 =	vadd.s32 v1, v3  }
0x82: {  	[tilespmem:s9], [sflag:$0x1] =	stream.indirect_vreg.gather [hbm4b:s4+s2], $0x80, v4, vm0, $0xb8;
	[tilespmem:$0x18080] =	vst v63  }
0x83: {  	s9 =	simm.s32 $0xD080  }
0x84: {  	[tilespmem:s9], [sflag:$0x1] =	stream.indirect_vreg.gather [hbm4b:s5+s2], $0x80, v4, vm0, $0xb8;
	[tilespmem:$0x18080] =	vst v63  }
0x85: {  	_ = 	snop  }
0x86: {  	[tilespmem:s10], [sflag:$0x1] =	stream.indirect_vreg.gather [hbm4b:s3+s2], $0x80, v3, vm0, $0xb8;
	[tilespmem:$0x18080] =	vst v63  }
0x87: {  	_ = 	snop  }
0x88: {  	[tilespmem:s11], [sflag:$0x1] =	stream.indirect_vreg.gather [hbm4b:s4+s2], $0x80, v3, vm0, $0xb8;
	[tilespmem:$0x18080] =	vst v63  }
0x89: {  	_ = 	snop  }
0x8a: {  	[tilespmem:s12], [sflag:$0x1] =	stream.indirect_vreg.gather [hbm4b:s5+s2], $0x80, v3, vm0, $0xb8;
	[tilespmem:$0x18080] =	vst v63  }
0x8b: {  	v3 =	vld [tilespmem:$0x50];
	_ =	sdelay $0x4  }
0x8c: {  	v61 =	vshrl.u32 v3, $0x3  }
0x8d: {  	v4 =	vmul.u32 $0x30, v61  }
0x8e: {  	v3 =	vand.u32 $0x7, v3  }
0x8f: {  	v3 =	vor.u32 v3, v4  }
0x90: {  	v4 =	vperm.xlane v3, v0;
	_ =	sdelay $0x1  }
0x91: {  	v4 =	vadd.s32 v1, v4;
	_ =	sdelay $0x3  }
0x92: {  	v3 =	vperm.xlane v3, v2  }
0x93: {  	[tilespmem:s13], [sflag:$0x1] =	stream.indirect_vreg.gather [hbm4b:s3+s2], $0x80, v4, vm0, $0xb8;
	[tilespmem:$0x18080] =	vst v63  }
0x94: {  	v3 =	vadd.s32 v1, v3  }
0x95: {  	[tilespmem:s14], [sflag:$0x1] =	stream.indirect_vreg.gather [hbm4b:s4+s2], $0x80, v4, vm0, $0xb8;
	[tilespmem:$0x18080] =	vst v63  }
0x96: {  	_ = 	snop  }
0x97: {  	[tilespmem:s15], [sflag:$0x1] =	stream.indirect_vreg.gather [hbm4b:s5+s2], $0x80, v4, vm0, $0xb8;
	[tilespmem:$0x18080] =	vst v63  }
0x98: {  	_ = 	snop  }
0x99: {  	[tilespmem:s16], [sflag:$0x1] =	stream.indirect_vreg.gather [hbm4b:s3+s2], $0x80, v3, vm0, $0xb8;
	[tilespmem:$0x18080] =	vst v63  }
0x9a: {  	_ = 	snop  }
0x9b: {  	[tilespmem:s17], [sflag:$0x1] =	stream.indirect_vreg.gather [hbm4b:s4+s2], $0x80, v3, vm0, $0xb8;
	[tilespmem:$0x18080] =	vst v63  }
0x9c: {  	_ = 	snop  }
0x9d: {  	[tilespmem:s18], [sflag:$0x1] =	stream.indirect_vreg.gather [hbm4b:s5+s2], $0x80, v3, vm0, $0xb8;
	[tilespmem:$0x18080] =	vst v63  }
0x9e: {  	v3 =	vld [tilespmem:$0x60];
	_ =	sdelay $0x4  }
0x9f: {  	v62 =	vshrl.u32 v3, $0x3  }
0xa0: {  	v4 =	vmul.u32 $0x30, v62  }
0xa1: {  	v3 =	vand.u32 $0x7, v3  }
0xa2: {  	v3 =	vor.u32 v3, v4  }
0xa3: {  	v4 =	vperm.xlane v3, v0;
	_ =	sdelay $0x1  }
0xa4: {  	v4 =	vadd.s32 v1, v4;
	_ =	sdelay $0x3  }
0xa5: {  	v3 =	vperm.xlane v3, v2  }
0xa6: {  	[tilespmem:s19], [sflag:$0x1] =	stream.indirect_vreg.gather [hbm4b:s3+s2], $0x80, v4, vm0, $0xb8;
	[tilespmem:$0x18080] =	vst v63  }
0xa7: {  	v3 =	vadd.s32 v1, v3  }
0xa8: {  	[tilespmem:s20], [sflag:$0x1] =	stream.indirect_vreg.gather [hbm4b:s4+s2], $0x80, v4, vm0, $0xb8;
	[tilespmem:$0x18080] =	vst v63  }
0xa9: {  	_ = 	snop  }
0xaa: {  	[tilespmem:s21], [sflag:$0x1] =	stream.indirect_vreg.gather [hbm4b:s5+s2], $0x80, v4, vm0, $0xb8;
	[tilespmem:$0x18080] =	vst v63  }
0xab: {  	_ = 	snop  }
0xac: {  	[tilespmem:s22], [sflag:$0x1] =	stream.indirect_vreg.gather [hbm4b:s3+s2], $0x80, v3, vm0, $0xb8;
	[tilespmem:$0x18080] =	vst v63  }
0xad: {  	_ = 	snop  }
0xae: {  	[tilespmem:s23], [sflag:$0x1] =	stream.indirect_vreg.gather [hbm4b:s4+s2], $0x80, v3, vm0, $0xb8;
	[tilespmem:$0x18080] =	vst v63  }
0xaf: {  	_ = 	snop  }
0xb0: {  	[tilespmem:s24], [sflag:$0x1] =	stream.indirect_vreg.gather [hbm4b:s5+s2], $0x80, v3, vm0, $0xb8;
	[tilespmem:$0x18080] =	vst v63  }
0xb1: {  	v3 =	vld [tilespmem:$0x70];
	_ =	sdelay $0x4  }
0xb2: {  	v63 =	vshrl.u32 v3, $0x3  }
0xb3: {  	v4 =	vmul.u32 $0x30, v63  }
0xb4: {  	v3 =	vand.u32 $0x7, v3  }
0xb5: {  	v3 =	vor.u32 v3, v4  }
0xb6: {  	v4 =	vperm.xlane v3, v0;
	_ =	sdelay $0x1  }
0xb7: {  	v4 =	vadd.s32 v1, v4;
	_ =	sdelay $0x3  }
0xb8: {  	v3 =	vperm.xlane v3, v2  }
0xb9: {  	[tilespmem:s25], [sflag:$0x1] =	stream.indirect_vreg.gather [hbm4b:s3+s2], $0x80, v4, vm0, $0xb8;
	[tilespmem:$0x18080] =	vst v63  }
0xba: {  	v3 =	vadd.s32 v1, v3  }
0xbb: {  	[tilespmem:s26], [sflag:$0x1] =	stream.indirect_vreg.gather [hbm4b:s4+s2], $0x80, v4, vm0, $0xb8;
	[tilespmem:$0x18080] =	vst v63  }
0xbc: {  	_ = 	snop  }
0xbd: {  	[tilespmem:s28], [sflag:$0x1] =	stream.indirect_vreg.gather [hbm4b:s5+s2], $0x80, v4, vm0, $0xb8;
	[tilespmem:$0x18080] =	vst v63  }
0xbe: {  	_ = 	snop  }
0xbf: {  	[tilespmem:s29], [sflag:$0x1] =	stream.indirect_vreg.gather [hbm4b:s3+s2], $0x80, v3, vm0, $0xb8;
	[tilespmem:$0x18080] =	vst v63  }
0xc0: {  	_ = 	snop  }
0xc1: {  	[tilespmem:s30], [sflag:$0x1] =	stream.indirect_vreg.gather [hbm4b:s4+s2], $0x80, v3, vm0, $0xb8;
	[tilespmem:$0x18080] =	vst v63  }
0xc2: {  	_ = 	snop  }
0xc3: {  	[tilespmem:s31], [sflag:$0x1] =	stream.indirect_vreg.gather [hbm4b:s5+s2], $0x80, v3, vm0, $0xb8;
	[tilespmem:$0x18080] =	vst v63  }
0xc4: {  	_ =	swait.ge [sflag:s1], $0x18000  }
0xc5: {  	p0 =	sne.s32 s6, $0x1;
	[sflag:s1] =	ssyncset.done $0x0  }
.Ltmp0:
0xc6: {  	s9 =	rddreg [dreg:$0x3];
	[sflag:s1] =	ssyncadd.s32 $0xFFFE8000;
	(pc) =	sbr.rel @p0 .LBB2_1-.Ltmp0, $4  }
0xc7: {  	[hbm4b:s9+s2] =	stream.linear.scatter [tilespmem:s8], [sflag:$0x2], $0x18000, $0x38;
	[tilespmem:$0x18080] =	vst v63  }
0xc8: {  	_ =	swait.ge [sflag:s7], $0x18000  }
0xc9: {  	[sflag:s7] =	ssyncset.done $0x0  }
0xca: {  	s6 =	sadd.s32 $0xFFFFFFFF, s6;
	[sflag:s7] =	ssyncadd.s32 $0xFFFE8000  }
0xcb: {  	_ =	sfence.sel $0x180000  }
0xcc: {  	[bflag:$0x0] =	sbarrier.arrive $0xFFFF  }
0xcd: {  	_ =	strace $0x9000004A  }
0xce: {  	s0 =	stileid.u32;
	[bflag:$0x2] =	sbarrier.arrive $0xFFFF  }
0xcf: {  	p0 =	sne.s32 s0, $0x0;
	s0 =	rddreg [dreg:$0x1]  }
0xd0: {  	s0 =	sadd.s32 @!p0 $0x100000, s0  }
0xd1: {  	[sflag:s0] =	ssyncadd.tile.s32 @!p0 $0x1;
	_ =	shalt  }
.Lfunc_end2:
_tile_overlayer_lowered:
.L_overlay_start_2:
0xd2: {  	(tag) =	ssettag $0x2  }
0xd3: {  	s0 =	rddreg [dreg:$0x0];
	s2 =	stileid.u32  }
0xd4: {  	s1 =	rddreg [dreg:$0x1];
	p0 =	sne.s32 s2, $0x0  }
0xd5: {  	s3 =	rddreg [dreg:$0x2];
	[bflag:$0x3] =	sbarrier.arrive $0xFFFF;
	s2 =	simm.s32 @!p0 $0x1C02  }
0xd6: {  	[timem:s3], [sflag:s2] =	dma.local @!p0 [hbm:s0], s1  }
0xd7: {  	s0 =	simm.s32 @!p0 $0x2  }
0xd8: {  	_ =	swait.ge @!p0 [sflag:s0], s1  }
0xd9: {  	s1 =	ssub.s32 @!p0 $0x0, s1;
	[sflag:s0] =	ssyncset.done @!p0 $0x0  }
0xda: {  	[sflag:s0] =	ssyncadd.s32 @!p0 s1  }
0xdb: {  	[bflag:$0x3] =	sbarrier.arrive $0xFFFF  }
0xdc: {  	_ =	shalt  }

// kernel: kernel.7.cloned.1.call-start
scs
__scs_entry_jumppad:
0x0: {  	(pc) =	sbr.rel $0x88, $3  }
0x1: {  	(tag) =	ssettag $0x0;
	lr =	simm.s32 $0x1  }
0x2: {  	[smem:$0x3F99] =	sst lr;
	_ =	strace $0xD0000000  }
0x3: {  	_ = 	snop  }
0x4: {  	_ = 	snop  }
0x5: {  	_ = 	snop  }
0x6: {  	_ = 	snop  }
0x7: {  	_ = 	snop  }
__scs_overlays_trampoline_lowered:
0x8: {  	[smem:$0x3FA8] =	sst s0  }
0x9: {  	[smem:$0x3FA9] =	sst s1  }
0xa: {  	[smem:$0x3FAA] =	sst s2  }
0xb: {  	[smem:$0x3FAB] =	sst s3  }
0xc: {  	[smem:$0x3FAC] =	sst s4  }
0xd: {  	[smem:$0x3FAD] =	sst s5  }
0xe: {  	[smem:$0x3FAE] =	sst s6  }
0xf: {  	[smem:$0x3FAF] =	sst s7  }
0x10: {  	[smem:$0x3FB0] =	sst s8  }
0x11: {  	[smem:$0x3FB1] =	sst s9;
	s0 =	simm.s32 @!p0 $0x0  }
0x12: {  	s1 =	sld [smem:$0x3F97];
	s0 =	simm.s32 @p0 $0x1  }
0x13: {  	[smem:$0x3FB2] =	sst s0;
	s0 =	simm.s32 @!p1 $0x0  }
0x14: {  	s2 =	sld [smem:$0x3F96];
	s0 =	simm.s32 @p1 $0x1  }
0x15: {  	[smem:$0x3FB3] =	sst s0;
	s0 =	simm.s32 @!p2 $0x0  }
0x16: {  	s3 =	sld [smem:$0x3FDB];
	s0 =	simm.s32 @p2 $0x1  }
0x17: {  	s4 =	simm.s32 $0x1BF5;
	[smem:$0x3FB5] =	sst s0  }
0x18: {  	s0 =	sld [smem:$0x3F98];
	_ =	swait.ge [sflag:s4], $0x0  }
0x19: {  	s7 =	sld [smem:$0x3F99]  }
0x1a: {  	s8 =	sadd.s32 $0xFFFFE003, lr  }
0x1b: {  	s9 =	sadd.s32 $0xFFFFFEF7, lr;
	s5 =	simm.s32 $0xFFFFFFFF;
	p2 =	slt.u32 s8, $0xFFFFF086  }
0x1c: {  	p1 =	slt.u32 s9, $0xF7A;
	s5 =	simm.s32 @!p2 $0x0  }
0x1d: {  	s5 =	simm.s32 @p1 $0x1;
	p0 =	seq.s32 s7, s2  }
0x1e: {  	s7 =	smul.u32 @!p0 $0xF7A, s2;
	p2 =	seq.s32 @!p0 s5, $0x0  }
0x1f: {  	s9 =	smul.u32 $0xF7A, s1;
	s8 =	simm.s32 @!p0 $0x1BF5;
	p2 =	por !p2, p0  }
0x20: {  	[sflag:s8] =	ssyncset.s32 @!p0 $0xFFFFF086;
	s6 =	sadd.s32 @!p0 s3, s7;
	s7 =	simm.s32 @!p0 $0x108  }
0x21: {  	s3 =	sadd.s32 s3, s9;
	s6 =	sadd.s32 @!p0 $0x88, s6;
	s7 =	simm.s32 @p2 $0x1082  }
0x22: {  	[simem:s7], [sflag:s8] =	dma.local @!p0 [hbm:s6], $0xF7A  }
0x23: {  	s9 =	sor.u32 $0xD0000000, s2;
	s6 =	simm.s32 $0x108;
	_ =	swait.ge @!p0 [sflag:s8], $0x0  }
0x24: {  	s3 =	sadd.s32 $0x88, s3;
	s6 =	simm.s32 @!p1 $0x1082;
	[sflag:s4] =	ssyncset.s32 $0xFFFFF086  }
0x25: {  	[simem:s6], [sflag:s4] =	dma.local [hbm:s3], $0xF7A  }
0x26: {  	[smem:$0x3F99] =	sst s1;
	(tag) =	ssettag s2;
	_ =	strace s9  }
0x27: {  	s1 =	sld [smem:$0x3FA9]  }
0x28: {  	s2 =	sld [smem:$0x3FAA]  }
0x29: {  	s4 =	sld [smem:$0x3FAC]  }
0x2a: {  	p0 =	seq.s32 s5, $0x0;
	s5 =	sld [smem:$0x3FAD]  }
0x2b: {  	s6 =	sld [smem:$0x3FAE]  }
0x2c: {  	s7 =	sld [smem:$0x3FAF]  }
0x2d: {  	s3 =	simm.s32 $0x108;
	s8 =	sld [smem:$0x3FB0]  }
0x2e: {  	s3 =	simm.s32 @!p0 $0x1082;
	s9 =	sld [smem:$0x3FB1]  }
0x2f: {  	lr =	sadd.s32 s0, s3;
	s0 =	sld [smem:$0x3FA8]  }
0x30: {  	s3 =	sld [smem:$0x3FAB]  }
0x31: {  	[smem:$0x3FB4] =	sst s10  }
0x32: {  	s10 =	sld [smem:$0x3FB2];
	_ =	sdelay $0x3  }
0x33: {  	p0 =	seq.s32 s10, $0x1;
	s10 =	sld [smem:$0x3FB4];
	_ =	sdelay $0x3  }
0x34: {  	[smem:$0x3FB4] =	sst s10  }
0x35: {  	s10 =	sld [smem:$0x3FB3];
	_ =	sdelay $0x3  }
0x36: {  	p1 =	seq.s32 s10, $0x1;
	s10 =	sld [smem:$0x3FB4];
	_ =	sdelay $0x3  }
0x37: {  	[smem:$0x3FB4] =	sst s10  }
0x38: {  	s10 =	sld [smem:$0x3FB5]  }
0x39: {  	_ = 	snop;
	(pc) =	sbr.ind lr, $3  }
0x3a: {  	_ = 	snop  }
0x3b: {  	_ = 	snop  }
0x3c: {  	p2 =	seq.s32 s10, $0x1;
	s10 =	sld [smem:$0x3FB4]  }
0x3d: {  	_ =	shalt  }
0x3e: {  	_ =	shalt  }
0x3f: {  	_ =	shalt  }
0x40: {  	_ =	shalt  }
0x41: {  	_ =	shalt  }
0x42: {  	_ =	shalt  }
0x43: {  	_ =	shalt  }
0x44: {  	_ =	shalt  }
0x45: {  	_ =	shalt  }
0x46: {  	_ =	shalt  }
0x47: {  	_ =	shalt  }
0x48: {  	_ =	shalt  }
0x49: {  	_ =	shalt  }
0x4a: {  	_ =	shalt  }
0x4b: {  	_ =	shalt  }
0x4c: {  	_ =	shalt  }
0x4d: {  	_ =	shalt  }
0x4e: {  	_ =	shalt  }
0x4f: {  	_ =	shalt  }
0x50: {  	_ =	shalt  }
0x51: {  	_ =	shalt  }
0x52: {  	_ =	shalt  }
0x53: {  	_ =	shalt  }
0x54: {  	_ =	shalt  }
0x55: {  	_ =	shalt  }
0x56: {  	_ =	shalt  }
0x57: {  	_ =	shalt  }
0x58: {  	_ =	shalt  }
0x59: {  	_ =	shalt  }
0x5a: {  	_ =	shalt  }
0x5b: {  	_ =	shalt  }
0x5c: {  	_ =	shalt  }
0x5d: {  	_ =	shalt  }
0x5e: {  	_ =	shalt  }
0x5f: {  	_ =	shalt  }
0x60: {  	_ =	shalt  }
0x61: {  	_ =	shalt  }
0x62: {  	_ =	shalt  }
0x63: {  	_ =	shalt  }
0x64: {  	_ =	shalt  }
0x65: {  	_ =	shalt  }
0x66: {  	_ =	shalt  }
0x67: {  	_ =	shalt  }
0x68: {  	_ =	shalt  }
0x69: {  	_ =	shalt  }
0x6a: {  	_ =	shalt  }
0x6b: {  	_ =	shalt  }
0x6c: {  	_ =	shalt  }
0x6d: {  	_ =	shalt  }
0x6e: {  	_ =	shalt  }
0x6f: {  	_ =	shalt  }
0x70: {  	_ =	shalt  }
0x71: {  	_ =	shalt  }
0x72: {  	_ =	shalt  }
0x73: {  	_ =	shalt  }
0x74: {  	_ =	shalt  }
0x75: {  	_ =	shalt  }
0x76: {  	_ =	shalt  }
0x77: {  	_ =	shalt  }
0x78: {  	_ =	shalt  }
0x79: {  	_ =	shalt  }
0x7a: {  	_ =	shalt  }
0x7b: {  	_ =	shalt  }
0x7c: {  	_ =	shalt  }
0x7d: {  	_ =	shalt  }
0x7e: {  	_ =	shalt  }
0x7f: {  	_ =	shalt  }
0x80: {  	_ =	shalt  }
0x81: {  	_ =	shalt  }
0x82: {  	_ =	shalt  }
0x83: {  	_ =	shalt  }
0x84: {  	_ =	shalt  }
0x85: {  	_ =	shalt  }
0x86: {  	_ =	shalt  }
0x87: {  	_ =	shalt  }
.Lfunc_end0:
.L_simem_size_0:
called_computation_lowered:
.L_overlay_start_0:
0x88: {  	s2 =	sld [smem:$0x3FD9]  }
0x89: {  	s3 =	sld [smem:$0x3FFE];
	_ =	sdelay $0x1  }
0x8a: {  	s1 =	srdreg.scid  }
0x8b: {  	s0 =	sand.u32 $0x1, s1  }
0x8c: {  	s17 =	sshll.u32 s0, $0xA;
	s2 =	sadd.s32 s3, s2  }
0x8d: {  	s2 =	sadd.s32 s2, s17  }
0x8e: {  	[smem:$0x3FC0] =	sst s2  }
0x8f: {  	_ = 	snop  }
0x90: {  	s2 =	sld [smem:$0x3FC9]  }
0x91: {  	s18 =	sld [smem:$0x3FD0];
	(tm) =	ssettm $0x1  }
0x92: {  	s4 =	sld [smem:$0x3FFB];
	_ =	sdelay $0x3  }
0x93: {  	_ =	strace s4  }
0x94: {  	s4 =	sld [smem:$0x3FFC];
	_ =	sdelay $0x3  }
0x95: {  	_ =	strace s4  }
0x96: {  	s4 =	sld [smem:$0x3FFD];
	_ =	sdelay $0x3  }
0x97: {  	_ =	strace s4  }
0x98: {  	_ =	strace $0x8FFFFFFF  }
0x99: {  	s19 =	sld [smem:$0x3FDB];
	_ =	sdelay $0x1  }
0x9a: {  	s5 =	simm.s32 $_scs_section_size  }
0x9b: {  	s6 =	simm.s32 $_size__tile_overlayer_lowered;
	s7 =	simm.s32 $_tile_overlayer_lowered  }
0x9c: {  	s22 =	simm.s32 $0x1BFF;
	s21 =	sshll.u32 s7, $0x1;
	s4 =	sadd.s32 s5, s19  }
0x9d: {  	s8 =	simm.s32 $0x0;
	s20 =	sshll.u32 s6, $0x1;
	s6 =	sadd.s32 s21, s4  }
0x9e: {  	[timem:s8], [sflag:s22] =	dma.local [hbm:s6], s20  }
0x9f: {  	_ =	swait.ge [sflag:s22], s20  }
0xa0: {  	s5 =	ssub.s32 $0x0, s20;
	[sflag:s22] =	ssyncset.done $0x0  }
0xa1: {  	[sflag:s22] =	ssyncadd.s32 s5;
	_ =	sdelay $0x1  }
0xa2: {  	s23 =	simm.s32 $0x1B8B  }
0xa3: {  	_ =	swait.ge [sflag:s23], $0x1  }
0xa4: {  	[sflag:s23] =	ssyncset.done $0x0  }
0xa5: {  	s25 =	simm.s32 $0x1B8E;
	s24 =	sld [smem:$0x3FFE];
	[sflag:s23] =	ssyncadd.s32 $0xFFFFFFFF  }
0xa6: {  	s26 =	simm.s32 $execute0_lowered;
	[smem:$0x3FD2] =	sst s25  }
0xa7: {  	s6 =	sshll.u32 s26, $0x1;
	_ =	strace $0x80000046;
	[dreg:$0x1] =	wrdreg $0xFFFFFFFF  }
0xa8: {  	s28 =	simm.s32 $_size_execute0_lowered;
	s4 =	sadd.s32 s4, s6;
	[dreg:$0x0] =	wrdreg $0x0  }
0xa9: {  	s6 =	sshll.u32 s28, $0x1;
	[dreg:$0x2] =	wrdreg s4  }
0xaa: {  	[dreg:$0x3] =	wrdreg s6  }
0xab: {  	[dreg:$0x4] =	wrdreg $0xC0  }
0xac: {  	_ =	task [dreg:s8], $0x5FFFF  }
0xad: {  	[dreg:$0x1] =	wrdreg $0xFFFFFFFF  }
0xae: {  	[dreg:$0x0] =	wrdreg $0x60  }
0xaf: {  	[dreg:$0x2] =	wrdreg s24  }
0xb0: {  	[dreg:$0x3] =	wrdreg s2  }
0xb1: {  	[dreg:$0x4] =	wrdreg s18  }
0xb2: {  	[dreg:$0x5] =	wrdreg $0x9  }
0xb3: {  	_ =	task.clear_ibuf [dreg:s8], $0x6FFFF;
	_ =	strace $0x90000046  }
0xb4: {  	s29 =	simm.s32 $0x9;
	_ =	strace $0x80000048  }
0xb5: {  	_ =	swait.ge [sflag:s29], $0x1  }
0xb6: {  	[sflag:s29] =	ssyncadd.s32 $0xFFFFFFFF  }
0xb7: {  	_ =	strace $0x90000048  }
0xb8: {  	_ =	sfence  }
0xb9: {  	s30 =	sld [smem:$0x0];
	_ =	sdelay $0x2  }
0xba: {  	s31 =	sshll.u32 s1, $0xD;
	s1 =	sshrl.u32 s1, $0x2  }
0xbb: {  	s3 =	sand.u32 $0x4000, s31;
	s1 =	sadd.s32 s1, s30  }
0xbc: {  	s0 =	sor.u32 s3, s0;
	s1 =	sshll.u32 s1, $0x11  }
0xbd: {  	s0 =	sor.u32 s1, s0  }
0xbe: {  	s0 =	sadd.s32 $0x8F2B, s0  }
0xbf: {  	[sflag:s0] =	ssyncadd.remote.s32 $0x1  }
0xc0: {  	_ =	sfence.sel $0xFFFF  }
0xc1: {  	[dreg:$0x0] =	wrdreg $0xFFFFFFFF;
	(pc) =	sbr.abs _section_cstart, $3  }
0xc2: {  	[dreg:$0x1] =	wrdreg $0xFFFFFFFF  }
0xc3: {  	_ =	task.clear_ibuf [dreg:s8], $0x2FFFF;
	_ =	strace $0x9FFFFFFF  }
0xc4: {  	(tm) =	ssettm $0x7FFFFFFF  }
0xc5: {  	_ =	shalt  }
tec
execute0_lowered:
.L_overlay_start_1:
0x0: {  	(tag) =	ssettag $0x1  }
0x1: {  	s0 =	rddreg [dreg:$0x0];
	s1 =	srdreg.scid  }
0x2: {  	s3 =	stileid.u32;
	s2 =	rddreg [dreg:$0x1]  }
0x3: {  	s4 =	rddreg [dreg:$0x2];
	s14 =	simm.s32 $0x3;
	s15 =	simm.s32 $0x2000  }
0x4: {  	s16 =	simm.s32 $0x2100;
	s12 =	simm.s32 $0x4200;
	s18 =	simm.s32 $0x4A00  }
0x5: {  	s13 =	simm.s32 $0x5200;
	s19 =	simm.s32 $0x5A00;
	s28 =	simm.s32 $0x9A00  }
0x6: {  	s29 =	simm.s32 $0xA200;
	s30 =	simm.s32 $0xAA00;
	s31 =	simm.s32 $0xBA00  }
0x7: {  	s17 =	simm.s32 $0xC200;
	s1 =	sand.u32 $0x1, s1;
	s3 =	sshll.u32 s3, $0x1  }
0x8: {  	s6 =	sadd.s32 $0x1400, s0;
	s5 =	sor.u32 s1, s3;
	s3 =	simm.s32 $0x0  }
0x9: {  	s8 =	sadd.s32 $0x1600, s0;
	s1 =	ssub.s32 $0x2, s1;
	[smem:$0x7FF] =	sst s3  }
0xa: {  	s5 =	smul.u32 $0xC0, s5;
	_ =	strace $0x80000047;
	[dreg:$0x4] =	wrdreg s6  }
0xb: {  	s0 =	sadd.s32 $0x1800, s0;
	s21 =	sshrl.u32 s1, $0x1;
	[dreg:$0x5] =	wrdreg s8  }
0xc: {  	s1 =	ssub.s32 s1, s21;
	s6 =	sadd.s32 $0x100, s2;
	s7 =	sshrl.u32 s5, $0x3  }
0xd: {  	s8 =	sadd.s32 $0x200, s2;
	s21 =	simm.s32 $0x6A00;
	s20 =	smul.u32 $0x1800, s7  }
0xe: {  	s26 =	smax.u32 s1, $0x1;
	s1 =	simm.s32 $0xB200;
	s9 =	smul.u32 $0x300, s7  }
0xf: {  	s25 =	sadd.s32 s4, s7;
	[dreg:$0xb] =	wrdreg s26;
	s4 =	simm.s32 $0x0  }
0x10: {  	s26 =	simm.s32 $0x9200;
	[dreg:$0xa] =	wrdreg s25;
	s25 =	simm.s32 $0x8A00  }
0x11: {  	s22 =	sshrl.u32 s20, $0x3;
	s9 =	sadd.s32 s0, s9;
	s20 =	simm.s32 $0x6200  }
0x12: {  	s0 =	sadd.s32 s0, s22;
	s23 =	sadd.s32 $0x2400, s9;
	[dreg:$0x6] =	wrdreg s9  }
0x13: {  	v1 =	vimm.s32 $0x0;
	v2 =	vlaneseq.u32;
	v3 =	vimm.f32 $0.0e+00;
	s24 =	sadd.s32 $0x3600, s9;
	s9 =	simm.s32 $0x2200;
	[dreg:$0x8] =	wrdreg s23  }
0x14: {  	vm0 =	vmmov $0xffff;
	v4 =	vand.u32 $0x7, v2;
	v5 =	vshrl.u32 v2, $0x3;
	s22 =	simm.s32 $0x7200;
	s0 =	sadd.s32 $0x1200, s0;
	[dreg:$0x9] =	wrdreg s24  }
0x15: {  	v6 =	vor.u32 $0x8, v2;
	v5 =	vmul.u32 $0x8, v5;
	v0 =	vmov s5;
	s23 =	simm.s32 $0x7A00;
	s24 =	simm.s32 $0x8200;
	[dreg:$0x7] =	wrdreg s0  }
.LBB2_1:
0x16: {  	s5 =	rddreg [dreg:$0x4]  }
0x17: {  	[tilespmem:s3], [sflag:$0x3] =	stream.linear.gather [hbm4b:s5+s3], $0x1000, $0x38;
	[tilespmem:$0x14200] =	vst v63  }
0x18: {  	_ =	swait.ge [sflag:s14], $0x1000  }
0x19: {  	[sflag:s14] =	ssyncset.done $0x0  }
0x1a: {  	s7 =	simm.s32 $0x1000;
	s11 =	rddreg [dreg:$0x5];
	[sflag:s14] =	ssyncadd.s32 $0xFFFFF000  }
0x1b: {  	[tilespmem:s7], [sflag:$0x3] =	stream.linear.gather [hbm4b:s11+s3], $0x1000, $0x38;
	[tilespmem:$0x14200] =	vst v63  }
0x1c: {  	_ =	swait.ge [sflag:s14], $0x1000  }
0x1d: {  	[sflag:s14] =	ssyncset.done $0x0  }
0x1e: {  	[sflag:s14] =	ssyncadd.s32 $0xFFFFF000  }
0x1f: {  	[tilespmem:$0x2000] =	vst v1  }
0x20: {  	[tilespmem:$0x2100] =	vst v3  }
0x21: {  	[tilespmem:$0x2010] =	vst v1  }
0x22: {  	[tilespmem:$0x2110] =	vst v3  }
0x23: {  	[tilespmem:$0x2020] =	vst v1  }
0x24: {  	[tilespmem:$0x2120] =	vst v3  }
0x25: {  	[tilespmem:$0x2030] =	vst v1  }
0x26: {  	[tilespmem:$0x2130] =	vst v3  }
0x27: {  	[tilespmem:$0x2040] =	vst v1  }
0x28: {  	[tilespmem:$0x2140] =	vst v3  }
0x29: {  	[tilespmem:$0x2050] =	vst v1  }
0x2a: {  	[tilespmem:$0x2150] =	vst v3  }
0x2b: {  	[tilespmem:$0x2060] =	vst v1  }
0x2c: {  	[tilespmem:$0x2160] =	vst v3  }
0x2d: {  	[tilespmem:$0x2070] =	vst v1  }
0x2e: {  	[tilespmem:$0x2170] =	vst v3  }
0x2f: {  	[tilespmem:$0x2080] =	vst v1  }
0x30: {  	[tilespmem:$0x2180] =	vst v3  }
0x31: {  	[tilespmem:$0x2090] =	vst v1  }
0x32: {  	[tilespmem:$0x2190] =	vst v3  }
0x33: {  	[tilespmem:$0x20A0] =	vst v1  }
0x34: {  	[tilespmem:$0x21A0] =	vst v3  }
0x35: {  	[tilespmem:$0x20B0] =	vst v1  }
0x36: {  	[tilespmem:$0x21B0] =	vst v3  }
0x37: {  	v7 =	vld [tilespmem:s3+$0x0];
	_ =	sdelay $0x4  }
0x38: {  	v7 =	vsub.s32 v7, v0  }
0x39: {  	vm1 =	vlt.u32 v7, $0xC0  }
0x3a: {  	v7 =	vnsel vm1, $0x0, v7  }
0x3b: {  	v8 =	vld [tilespmem:s7+$0x0];
	_ =	sdelay $0x1  }
0x3c: {  	v9 =	vor.u32 s3, v2  }
0x3d: {  	v9 =	vshrl.u32 v9, $0x1  }
0x3e: {  	[tilespmem:v7+s15+$0x0] =	vst.idx.msk vm1, v9  }
0x3f: {  	s5 =	simm.s32 $0x10;
	[tilespmem:v7+s16+$0x0] =	vst.idx.msk vm1, v8  }
0x40: {  	v7 =	vld [tilespmem:s5+$0x0]  }
0x41: {  	s10 =	simm.s32 $0x20;
	s11 =	simm.s32 $0x10  }
.LBB2_2:
0x42: {  	p0 =	sne.s32 s10, $0xFF0;
	_ =	sdelay $0x2  }
0x43: {  	v7 =	vsub.s32 v7, v0  }
0x44: {  	vm1 =	vlt.u32 v7, $0xC0  }
0x45: {  	s7 =	sadd.s32 $0x10, s7;
	v7 =	vnsel vm1, $0x0, v7  }
0x46: {  	v8 =	vld [tilespmem:s7+$0x0];
	_ =	sdelay $0x1  }
0x47: {  	v9 =	vor.u32 s5, v2;
	s5 =	smov.u32 s10  }
.Ltmp0:
0x48: {  	v9 =	vshrl.u32 v9, $0x1;
	(pc) =	sbr.rel @p0 .LBB2_2-.Ltmp0, $4  }
0x49: {  	[tilespmem:v7+s15+$0x0] =	vst.idx.msk vm1, v9  }
0x4a: {  	s11 =	sadd.s32 $0x10, s11;
	[tilespmem:v7+s16+$0x0] =	vst.idx.msk vm1, v8  }
0x4b: {  	v7 =	vld [tilespmem:s11+$0x0]  }
0x4c: {  	s10 =	sadd.s32 $0x10, s10  }
0x4d: {  	_ =	sdelay $0x2  }
0x4e: {  	v7 =	vsub.s32 v7, v0  }
0x4f: {  	vm1 =	vlt.u32 v7, $0xC0  }
0x50: {  	s7 =	sadd.s32 $0x10, s7;
	v7 =	vnsel vm1, $0x0, v7  }
0x51: {  	v8 =	vld [tilespmem:s7+$0x0];
	_ =	sdelay $0x1  }
0x52: {  	v9 =	vor.u32 s5, v2  }
0x53: {  	v9 =	vshrl.u32 v9, $0x1  }
0x54: {  	[tilespmem:v7+s15+$0x0] =	vst.idx.msk vm1, v9  }
0x55: {  	[tilespmem:v7+s16+$0x0] =	vst.idx.msk vm1, v8  }
0x56: {  	v7 =	vld [tilespmem:$0x2000];
	_ =	sdelay $0x4  }
0x57: {  	v8 =	vshrl.u32 v7, $0x3  }
0x58: {  	v8 =	vmul.u32 $0x30, v8  }
0x59: {  	v7 =	vand.u32 $0x7, v7  }
0x5a: {  	v7 =	vor.u32 v7, v8  }
0x5b: {  	v8 =	vperm.xlane v7, v4;
	_ =	sdelay $0x1  }
0x5c: {  	v8 =	vadd.s32 v5, v8;
	_ =	sdelay $0x3  }
0x5d: {  	v7 =	vperm.xlane v7, v6  }
0x5e: {  	[tilespmem:s9], [sflag:$0x1] =	stream.indirect_vreg.gather [hbm4b:s2+s3], $0x80, v8, vm0, $0xb8;
	[tilespmem:$0x14200] =	vst v63  }
0x5f: {  	s7 =	simm.s32 $0x2A00;
	v7 =	vadd.s32 v5, v7  }
0x60: {  	[tilespmem:s7], [sflag:$0x1] =	stream.indirect_vreg.gather [hbm4b:s6+s3], $0x80, v8, vm0, $0xb8;
	[tilespmem:$0x14200] =	vst v63  }
0x61: {  	s10 =	simm.s32 $0x3200  }
0x62: {  	[tilespmem:s10], [sflag:$0x1] =	stream.indirect_vreg.gather [hbm4b:s8+s3], $0x80, v8, vm0, $0xb8;
	[tilespmem:$0x14200] =	vst v63  }
0x63: {  	s11 =	simm.s32 $0x3A00  }
0x64: {  	[tilespmem:s11], [sflag:$0x1] =	stream.indirect_vreg.gather [hbm4b:s2+s3], $0x80, v7, vm0, $0xb8;
	[tilespmem:$0x14200] =	vst v63  }
0x65: {  	_ = 	snop  }
0x66: {  	[tilespmem:s12], [sflag:$0x1] =	stream.indirect_vreg.gather [hbm4b:s6+s3], $0x80, v7, vm0, $0xb8;
	[tilespmem:$0x14200] =	vst v63  }
0x67: {  	_ = 	snop  }
0x68: {  	[tilespmem:s18], [sflag:$0x1] =	stream.indirect_vreg.gather [hbm4b:s8+s3], $0x80, v7, vm0, $0xb8;
	[tilespmem:$0x14200] =	vst v63  }
0x69: {  	v7 =	vld [tilespmem:$0x2010];
	_ =	sdelay $0x4  }
0x6a: {  	v8 =	vshrl.u32 v7, $0x3  }
0x6b: {  	v8 =	vmul.u32 $0x30, v8  }
0x6c: {  	v7 =	vand.u32 $0x7, v7  }
0x6d: {  	v7 =	vor.u32 v7, v8  }
0x6e: {  	v8 =	vperm.xlane v7, v4;
	_ =	sdelay $0x1  }
0x6f: {  	v8 =	vadd.s32 v5, v8;
	_ =	sdelay $0x3  }
0x70: {  	v7 =	vperm.xlane v7, v6  }
0x71: {  	[tilespmem:s13], [sflag:$0x1] =	stream.indirect_vreg.gather [hbm4b:s2+s3], $0x80, v8, vm0, $0xb8;
	[tilespmem:$0x14200] =	vst v63  }
0x72: {  	v7 =	vadd.s32 v5, v7  }
0x73: {  	[tilespmem:s19], [sflag:$0x1] =	stream.indirect_vreg.gather [hbm4b:s6+s3], $0x80, v8, vm0, $0xb8;
	[tilespmem:$0x14200] =	vst v63  }
0x74: {  	_ = 	snop  }
0x75: {  	[tilespmem:s20], [sflag:$0x1] =	stream.indirect_vreg.gather [hbm4b:s8+s3], $0x80, v8, vm0, $0xb8;
	[tilespmem:$0x14200] =	vst v63  }
0x76: {  	_ = 	snop  }
0x77: {  	[tilespmem:s21], [sflag:$0x1] =	stream.indirect_vreg.gather [hbm4b:s2+s3], $0x80, v7, vm0, $0xb8;
	[tilespmem:$0x14200] =	vst v63  }
0x78: {  	_ = 	snop  }
0x79: {  	[tilespmem:s22], [sflag:$0x1] =	stream.indirect_vreg.gather [hbm4b:s6+s3], $0x80, v7, vm0, $0xb8;
	[tilespmem:$0x14200] =	vst v63  }
0x7a: {  	_ = 	snop  }
0x7b: {  	[tilespmem:s23], [sflag:$0x1] =	stream.indirect_vreg.gather [hbm4b:s8+s3], $0x80, v7, vm0, $0xb8;
	[tilespmem:$0x14200] =	vst v63  }
0x7c: {  	v7 =	vld [tilespmem:$0x2020];
	_ =	sdelay $0x4  }
0x7d: {  	v8 =	vshrl.u32 v7, $0x3  }
0x7e: {  	v8 =	vmul.u32 $0x30, v8  }
0x7f: {  	v7 =	vand.u32 $0x7, v7  }
0x80: {  	v7 =	vor.u32 v7, v8  }
0x81: {  	v8 =	vperm.xlane v7, v4;
	_ =	sdelay $0x1  }
0x82: {  	v8 =	vadd.s32 v5, v8;
	_ =	sdelay $0x3  }
0x83: {  	v7 =	vperm.xlane v7, v6  }
0x84: {  	[tilespmem:s24], [sflag:$0x1] =	stream.indirect_vreg.gather [hbm4b:s2+s3], $0x80, v8, vm0, $0xb8;
	[tilespmem:$0x14200] =	vst v63  }
0x85: {  	v7 =	vadd.s32 v5, v7  }
0x86: {  	[tilespmem:s25], [sflag:$0x1] =	stream.indirect_vreg.gather [hbm4b:s6+s3], $0x80, v8, vm0, $0xb8;
	[tilespmem:$0x14200] =	vst v63  }
0x87: {  	_ = 	snop  }
0x88: {  	[tilespmem:s26], [sflag:$0x1] =	stream.indirect_vreg.gather [hbm4b:s8+s3], $0x80, v8, vm0, $0xb8;
	[tilespmem:$0x14200] =	vst v63  }
0x89: {  	_ = 	snop  }
0x8a: {  	[tilespmem:s28], [sflag:$0x1] =	stream.indirect_vreg.gather [hbm4b:s2+s3], $0x80, v7, vm0, $0xb8;
	[tilespmem:$0x14200] =	vst v63  }
0x8b: {  	_ = 	snop  }
0x8c: {  	[tilespmem:s29], [sflag:$0x1] =	stream.indirect_vreg.gather [hbm4b:s6+s3], $0x80, v7, vm0, $0xb8;
	[tilespmem:$0x14200] =	vst v63  }
0x8d: {  	_ = 	snop  }
0x8e: {  	[tilespmem:s30], [sflag:$0x1] =	stream.indirect_vreg.gather [hbm4b:s8+s3], $0x80, v7, vm0, $0xb8;
	[tilespmem:$0x14200] =	vst v63  }
0x8f: {  	v7 =	vld [tilespmem:$0x2030];
	_ =	sdelay $0x4  }
0x90: {  	v8 =	vshrl.u32 v7, $0x3  }
0x91: {  	v8 =	vmul.u32 $0x30, v8  }
0x92: {  	v7 =	vand.u32 $0x7, v7  }
0x93: {  	v7 =	vor.u32 v7, v8  }
0x94: {  	v8 =	vperm.xlane v7, v4;
	_ =	sdelay $0x1  }
0x95: {  	v8 =	vadd.s32 v5, v8;
	_ =	sdelay $0x3  }
0x96: {  	v7 =	vperm.xlane v7, v6  }
0x97: {  	[tilespmem:s1], [sflag:$0x2] =	stream.indirect_vreg.gather [hbm4b:s2+s3], $0x80, v8, vm0, $0xb8;
	[tilespmem:$0x14200] =	vst v63  }
0x98: {  	v7 =	vadd.s32 v5, v7  }
0x99: {  	[tilespmem:s31], [sflag:$0x2] =	stream.indirect_vreg.gather [hbm4b:s6+s3], $0x80, v8, vm0, $0xb8;
	[tilespmem:$0x14200] =	vst v63  }
0x9a: {  	_ = 	snop  }
0x9b: {  	[tilespmem:s17], [sflag:$0x2] =	stream.indirect_vreg.gather [hbm4b:s8+s3], $0x80, v8, vm0, $0xb8;
	[tilespmem:$0x14200] =	vst v63  }
0x9c: {  	s0 =	simm.s32 $0xCA00  }
0x9d: {  	[tilespmem:s0], [sflag:$0x2] =	stream.indirect_vreg.gather [hbm4b:s2+s3], $0x80, v7, vm0, $0xb8;
	[tilespmem:$0x14200] =	vst v63  }
0x9e: {  	s5 =	simm.s32 $0xD200  }
0x9f: {  	[tilespmem:s5], [sflag:$0x2] =	stream.indirect_vreg.gather [hbm4b:s6+s3], $0x80, v7, vm0, $0xb8;
	[tilespmem:$0x14200] =	vst v63  }
0xa0: {  	s5 =	simm.s32 $0xDA00  }
0xa1: {  	[tilespmem:s5], [sflag:$0x2] =	stream.indirect_vreg.gather [hbm4b:s8+s3], $0x80, v7, vm0, $0xb8;
	[tilespmem:$0x14200] =	vst v63  }
0xa2: {  	v7 =	vld [tilespmem:$0x2040];
	_ =	sdelay $0x4  }
0xa3: {  	v8 =	vshrl.u32 v7, $0x3  }
0xa4: {  	v8 =	vmul.u32 $0x30, v8  }
0xa5: {  	v7 =	vand.u32 $0x7, v7  }
0xa6: {  	v7 =	vor.u32 v7, v8  }
0xa7: {  	v8 =	vperm.xlane v7, v4;
	_ =	sdelay $0x1  }
0xa8: {  	v8 =	vadd.s32 v5, v8;
	_ =	sdelay $0x3  }
0xa9: {  	s5 =	simm.s32 $0xE200;
	v7 =	vperm.xlane v7, v6  }
0xaa: {  	[tilespmem:s5], [sflag:$0x2] =	stream.indirect_vreg.gather [hbm4b:s2+s3], $0x80, v8, vm0, $0xb8;
	[tilespmem:$0x14200] =	vst v63  }
0xab: {  	v7 =	vadd.s32 v5, v7;
	s5 =	simm.s32 $0xEA00  }
0xac: {  	[tilespmem:s5], [sflag:$0x2] =	stream.indirect_vreg.gather [hbm4b:s6+s3], $0x80, v8, vm0, $0xb8;
	[tilespmem:$0x14200] =	vst v63  }
0xad: {  	s5 =	simm.s32 $0xF200  }
0xae: {  	[tilespmem:s5], [sflag:$0x2] =	stream.indirect_vreg.gather [hbm4b:s8+s3], $0x80, v8, vm0, $0xb8;
	[tilespmem:$0x14200] =	vst v63  }
0xaf: {  	s5 =	simm.s32 $0xFA00  }
0xb0: {  	[tilespmem:s5], [sflag:$0x2] =	stream.indirect_vreg.gather [hbm4b:s2+s3], $0x80, v7, vm0, $0xb8;
	[tilespmem:$0x14200] =	vst v63  }
0xb1: {  	s5 =	simm.s32 $0x10200  }
0xb2: {  	[tilespmem:s5], [sflag:$0x2] =	stream.indirect_vreg.gather [hbm4b:s6+s3], $0x80, v7, vm0, $0xb8;
	[tilespmem:$0x14200] =	vst v63  }
0xb3: {  	s5 =	simm.s32 $0x10A00  }
0xb4: {  	[tilespmem:s5], [sflag:$0x2] =	stream.indirect_vreg.gather [hbm4b:s8+s3], $0x80, v7, vm0, $0xb8;
	[tilespmem:$0x14200] =	vst v63  }
0xb5: {  	v7 =	vld [tilespmem:$0x2050];
	_ =	sdelay $0x4  }
0xb6: {  	v8 =	vshrl.u32 v7, $0x3  }
0xb7: {  	v8 =	vmul.u32 $0x30, v8  }
0xb8: {  	v7 =	vand.u32 $0x7, v7  }
0xb9: {  	v7 =	vor.u32 v7, v8  }
0xba: {  	v8 =	vperm.xlane v7, v4;
	_ =	sdelay $0x1  }
0xbb: {  	v8 =	vadd.s32 v5, v8;
	_ =	sdelay $0x3  }
0xbc: {  	s5 =	simm.s32 $0x11200;
	v7 =	vperm.xlane v7, v6  }
0xbd: {  	[tilespmem:s5], [sflag:$0x2] =	stream.indirect_vreg.gather [hbm4b:s2+s3], $0x80, v8, vm0, $0xb8;
	[tilespmem:$0x14200] =	vst v63  }
0xbe: {  	v7 =	vadd.s32 v5, v7;
	s5 =	simm.s32 $0x11A00  }
0xbf: {  	[tilespmem:s5], [sflag:$0x2] =	stream.indirect_vreg.gather [hbm4b:s6+s3], $0x80, v8, vm0, $0xb8;
	[tilespmem:$0x14200] =	vst v63  }
0xc0: {  	s5 =	simm.s32 $0x12200  }
0xc1: {  	[tilespmem:s5], [sflag:$0x2] =	stream.indirect_vreg.gather [hbm4b:s8+s3], $0x80, v8, vm0, $0xb8;
	[tilespmem:$0x14200] =	vst v63  }
0xc2: {  	s5 =	simm.s32 $0x12A00  }
0xc3: {  	[tilespmem:s5], [sflag:$0x2] =	stream.indirect_vreg.gather [hbm4b:s2+s3], $0x80, v7, vm0, $0xb8;
	[tilespmem:$0x14200] =	vst v63  }
0xc4: {  	s5 =	simm.s32 $0x13200  }
0xc5: {  	[tilespmem:s5], [sflag:$0x2] =	stream.indirect_vreg.gather [hbm4b:s6+s3], $0x80, v7, vm0, $0xb8;
	[tilespmem:$0x14200] =	vst v63  }
0xc6: {  	s0 =	simm.s32 $0x1;
	s5 =	simm.s32 $0x13A00  }
0xc7: {  	[tilespmem:s5], [sflag:$0x2] =	stream.indirect_vreg.gather [hbm4b:s8+s3], $0x80, v7, vm0, $0xb8;
	[tilespmem:$0x14200] =	vst v63  }
0xc8: {  	_ =	swait.ge [sflag:s0], $0x9000  }
0xc9: {  	[sflag:s0] =	ssyncset.done $0x0  }
0xca: {  	s5 =	rddreg [dreg:$0x6];
	[sflag:s0] =	ssyncadd.s32 $0xFFFF7000  }
0xcb: {  	[hbm4b:s5+s3] =	stream.linear.scatter [tilespmem:s9], [sflag:$0x3], $0x9000, $0x38;
	[tilespmem:$0x14200] =	vst v63  }
0xcc: {  	_ =	swait.ge [sflag:s14], $0x9000  }
0xcd: {  	[sflag:s14] =	ssyncset.done $0x0  }
0xce: {  	[sflag:s14] =	ssyncadd.s32 $0xFFFF7000  }
0xcf: {  	v7 =	vld [tilespmem:$0x2060];
	_ =	sdelay $0x4  }
0xd0: {  	v8 =	vshrl.u32 v7, $0x3  }
0xd1: {  	v8 =	vmul.u32 $0x30, v8  }
0xd2: {  	v7 =	vand.u32 $0x7, v7  }
0xd3: {  	v7 =	vor.u32 v7, v8  }
0xd4: {  	v8 =	vperm.xlane v7, v4;
	_ =	sdelay $0x1  }
0xd5: {  	v8 =	vadd.s32 v5, v8;
	_ =	sdelay $0x3  }
0xd6: {  	v7 =	vperm.xlane v7, v6  }
0xd7: {  	[tilespmem:s9], [sflag:$0x1] =	stream.indirect_vreg.gather [hbm4b:s2+s3], $0x80, v8, vm0, $0xb8;
	[tilespmem:$0x14200] =	vst v63  }
0xd8: {  	v7 =	vadd.s32 v5, v7  }
0xd9: {  	[tilespmem:s7], [sflag:$0x1] =	stream.indirect_vreg.gather [hbm4b:s6+s3], $0x80, v8, vm0, $0xb8;
	[tilespmem:$0x14200] =	vst v63  }
0xda: {  	_ = 	snop  }
0xdb: {  	[tilespmem:s10], [sflag:$0x1] =	stream.indirect_vreg.gather [hbm4b:s8+s3], $0x80, v8, vm0, $0xb8;
	[tilespmem:$0x14200] =	vst v63  }
0xdc: {  	_ = 	snop  }
0xdd: {  	[tilespmem:s11], [sflag:$0x1] =	stream.indirect_vreg.gather [hbm4b:s2+s3], $0x80, v7, vm0, $0xb8;
	[tilespmem:$0x14200] =	vst v63  }
0xde: {  	_ = 	snop  }
0xdf: {  	[tilespmem:s12], [sflag:$0x1] =	stream.indirect_vreg.gather [hbm4b:s6+s3], $0x80, v7, vm0, $0xb8;
	[tilespmem:$0x14200] =	vst v63  }
0xe0: {  	_ = 	snop  }
0xe1: {  	[tilespmem:s18], [sflag:$0x1] =	stream.indirect_vreg.gather [hbm4b:s8+s3], $0x80, v7, vm0, $0xb8;
	[tilespmem:$0x14200] =	vst v63  }
0xe2: {  	v7 =	vld [tilespmem:$0x2070];
	_ =	sdelay $0x4  }
0xe3: {  	v8 =	vshrl.u32 v7, $0x3  }
0xe4: {  	v8 =	vmul.u32 $0x30, v8  }
0xe5: {  	v7 =	vand.u32 $0x7, v7  }
0xe6: {  	v7 =	vor.u32 v7, v8  }
0xe7: {  	v8 =	vperm.xlane v7, v4;
	_ =	sdelay $0x1  }
0xe8: {  	v8 =	vadd.s32 v5, v8;
	_ =	sdelay $0x3  }
0xe9: {  	v7 =	vperm.xlane v7, v6  }
0xea: {  	[tilespmem:s13], [sflag:$0x1] =	stream.indirect_vreg.gather [hbm4b:s2+s3], $0x80, v8, vm0, $0xb8;
	[tilespmem:$0x14200] =	vst v63  }
0xeb: {  	v7 =	vadd.s32 v5, v7  }
0xec: {  	[tilespmem:s19], [sflag:$0x1] =	stream.indirect_vreg.gather [hbm4b:s6+s3], $0x80, v8, vm0, $0xb8;
	[tilespmem:$0x14200] =	vst v63  }
0xed: {  	_ = 	snop  }
0xee: {  	[tilespmem:s20], [sflag:$0x1] =	stream.indirect_vreg.gather [hbm4b:s8+s3], $0x80, v8, vm0, $0xb8;
	[tilespmem:$0x14200] =	vst v63  }
0xef: {  	_ = 	snop  }
0xf0: {  	[tilespmem:s21], [sflag:$0x1] =	stream.indirect_vreg.gather [hbm4b:s2+s3], $0x80, v7, vm0, $0xb8;
	[tilespmem:$0x14200] =	vst v63  }
0xf1: {  	_ = 	snop  }
0xf2: {  	[tilespmem:s22], [sflag:$0x1] =	stream.indirect_vreg.gather [hbm4b:s6+s3], $0x80, v7, vm0, $0xb8;
	[tilespmem:$0x14200] =	vst v63  }
0xf3: {  	_ = 	snop  }
0xf4: {  	[tilespmem:s23], [sflag:$0x1] =	stream.indirect_vreg.gather [hbm4b:s8+s3], $0x80, v7, vm0, $0xb8;
	[tilespmem:$0x14200] =	vst v63  }
0xf5: {  	v7 =	vld [tilespmem:$0x2080];
	_ =	sdelay $0x4  }
0xf6: {  	v8 =	vshrl.u32 v7, $0x3  }
0xf7: {  	v8 =	vmul.u32 $0x30, v8  }
0xf8: {  	v7 =	vand.u32 $0x7, v7  }
0xf9: {  	v7 =	vor.u32 v7, v8  }
0xfa: {  	v8 =	vperm.xlane v7, v4;
	_ =	sdelay $0x1  }
0xfb: {  	v8 =	vadd.s32 v5, v8;
	_ =	sdelay $0x3  }
0xfc: {  	v7 =	vperm.xlane v7, v6  }
0xfd: {  	[tilespmem:s24], [sflag:$0x1] =	stream.indirect_vreg.gather [hbm4b:s2+s3], $0x80, v8, vm0, $0xb8;
	[tilespmem:$0x14200] =	vst v63  }
0xfe: {  	v7 =	vadd.s32 v5, v7  }
0xff: {  	[tilespmem:s25], [sflag:$0x1] =	stream.indirect_vreg.gather [hbm4b:s6+s3], $0x80, v8, vm0, $0xb8;
	[tilespmem:$0x14200] =	vst v63  }
0x100: {  	_ = 	snop  }
0x101: {  	[tilespmem:s26], [sflag:$0x1] =	stream.indirect_vreg.gather [hbm4b:s8+s3], $0x80, v8, vm0, $0xb8;
	[tilespmem:$0x14200] =	vst v63  }
0x102: {  	_ = 	snop  }
0x103: {  	[tilespmem:s28], [sflag:$0x1] =	stream.indirect_vreg.gather [hbm4b:s2+s3], $0x80, v7, vm0, $0xb8;
	[tilespmem:$0x14200] =	vst v63  }
0x104: {  	_ = 	snop  }
0x105: {  	[tilespmem:s29], [sflag:$0x1] =	stream.indirect_vreg.gather [hbm4b:s6+s3], $0x80, v7, vm0, $0xb8;
	[tilespmem:$0x14200] =	vst v63  }
0x106: {  	s7 =	simm.s32 $0x2  }
0x107: {  	[tilespmem:s30], [sflag:$0x1] =	stream.indirect_vreg.gather [hbm4b:s8+s3], $0x80, v7, vm0, $0xb8;
	[tilespmem:$0x14200] =	vst v63  }
0x108: {  	_ =	swait.ge [sflag:s7], $0x9000  }
0x109: {  	[sflag:s7] =	ssyncset.done $0x0  }
0x10a: {  	s10 =	rddreg [dreg:$0x7];
	[sflag:s7] =	ssyncadd.s32 $0xFFFF7000  }
0x10b: {  	[hbm4b:s10+s3] =	stream.linear.scatter [tilespmem:s1], [sflag:$0x3], $0x9000, $0x38;
	[tilespmem:$0x14200] =	vst v63  }
0x10c: {  	_ =	swait.ge [sflag:s14], $0x9000  }
0x10d: {  	[sflag:s14] =	ssyncset.done $0x0  }
0x10e: {  	[sflag:s14] =	ssyncadd.s32 $0xFFFF7000  }
0x10f: {  	v7 =	vld [tilespmem:$0x2090];
	_ =	sdelay $0x4  }
0x110: {  	v8 =	vshrl.u32 v7, $0x3  }
0x111: {  	v8 =	vmul.u32 $0x30, v8  }
0x112: {  	v7 =	vand.u32 $0x7, v7  }
0x113: {  	v7 =	vor.u32 v7, v8  }
0x114: {  	v8 =	vperm.xlane v7, v4;
	_ =	sdelay $0x1  }
0x115: {  	v8 =	vadd.s32 v5, v8;
	_ =	sdelay $0x3  }
0x116: {  	v7 =	vperm.xlane v7, v6  }
0x117: {  	[tilespmem:s1], [sflag:$0x2] =	stream.indirect_vreg.gather [hbm4b:s2+s3], $0x80, v8, vm0, $0xb8;
	[tilespmem:$0x14200] =	vst v63  }
0x118: {  	v7 =	vadd.s32 v5, v7  }
0x119: {  	[tilespmem:s31], [sflag:$0x2] =	stream.indirect_vreg.gather [hbm4b:s6+s3], $0x80, v8, vm0, $0xb8;
	[tilespmem:$0x14200] =	vst v63  }
0x11a: {  	_ = 	snop  }
0x11b: {  	[tilespmem:s17], [sflag:$0x2] =	stream.indirect_vreg.gather [hbm4b:s8+s3], $0x80, v8, vm0, $0xb8;
	[tilespmem:$0x14200] =	vst v63  }
0x11c: {  	s11 =	simm.s32 $0xCA00  }
0x11d: {  	[tilespmem:s11], [sflag:$0x2] =	stream.indirect_vreg.gather [hbm4b:s2+s3], $0x80, v7, vm0, $0xb8;
	[tilespmem:$0x14200] =	vst v63  }
0x11e: {  	s10 =	simm.s32 $0xD200  }
0x11f: {  	[tilespmem:s10], [sflag:$0x2] =	stream.indirect_vreg.gather [hbm4b:s6+s3], $0x80, v7, vm0, $0xb8;
	[tilespmem:$0x14200] =	vst v63  }
0x120: {  	s11 =	simm.s32 $0xDA00  }
0x121: {  	[tilespmem:s11], [sflag:$0x2] =	stream.indirect_vreg.gather [hbm4b:s8+s3], $0x80, v7, vm0, $0xb8;
	[tilespmem:$0x14200] =	vst v63  }
0x122: {  	v7 =	vld [tilespmem:$0x20A0];
	_ =	sdelay $0x4  }
0x123: {  	v8 =	vshrl.u32 v7, $0x3  }
0x124: {  	v8 =	vmul.u32 $0x30, v8  }
0x125: {  	v7 =	vand.u32 $0x7, v7  }
0x126: {  	v7 =	vor.u32 v7, v8  }
0x127: {  	v8 =	vperm.xlane v7, v4;
	_ =	sdelay $0x1  }
0x128: {  	v8 =	vadd.s32 v5, v8;
	_ =	sdelay $0x3  }
0x129: {  	s10 =	simm.s32 $0xE200;
	v7 =	vperm.xlane v7, v6  }
0x12a: {  	[tilespmem:s10], [sflag:$0x2] =	stream.indirect_vreg.gather [hbm4b:s2+s3], $0x80, v8, vm0, $0xb8;
	[tilespmem:$0x14200] =	vst v63  }
0x12b: {  	s11 =	simm.s32 $0xEA00;
	v7 =	vadd.s32 v5, v7  }
0x12c: {  	[tilespmem:s11], [sflag:$0x2] =	stream.indirect_vreg.gather [hbm4b:s6+s3], $0x80, v8, vm0, $0xb8;
	[tilespmem:$0x14200] =	vst v63  }
0x12d: {  	s10 =	simm.s32 $0xF200  }
0x12e: {  	[tilespmem:s10], [sflag:$0x2] =	stream.indirect_vreg.gather [hbm4b:s8+s3], $0x80, v8, vm0, $0xb8;
	[tilespmem:$0x14200] =	vst v63  }
0x12f: {  	s11 =	simm.s32 $0xFA00  }
0x130: {  	[tilespmem:s11], [sflag:$0x2] =	stream.indirect_vreg.gather [hbm4b:s2+s3], $0x80, v7, vm0, $0xb8;
	[tilespmem:$0x14200] =	vst v63  }
0x131: {  	s10 =	simm.s32 $0x10200  }
0x132: {  	[tilespmem:s10], [sflag:$0x2] =	stream.indirect_vreg.gather [hbm4b:s6+s3], $0x80, v7, vm0, $0xb8;
	[tilespmem:$0x14200] =	vst v63  }
0x133: {  	s11 =	simm.s32 $0x10A00  }
0x134: {  	[tilespmem:s11], [sflag:$0x2] =	stream.indirect_vreg.gather [hbm4b:s8+s3], $0x80, v7, vm0, $0xb8;
	[tilespmem:$0x14200] =	vst v63  }
0x135: {  	v7 =	vld [tilespmem:$0x20B0];
	_ =	sdelay $0x4  }
0x136: {  	v8 =	vshrl.u32 v7, $0x3  }
0x137: {  	v8 =	vmul.u32 $0x30, v8  }
0x138: {  	v7 =	vand.u32 $0x7, v7  }
0x139: {  	v7 =	vor.u32 v7, v8  }
0x13a: {  	v8 =	vperm.xlane v7, v4;
	_ =	sdelay $0x1  }
0x13b: {  	v8 =	vadd.s32 v5, v8;
	_ =	sdelay $0x3  }
0x13c: {  	s10 =	simm.s32 $0x11200;
	v7 =	vperm.xlane v7, v6  }
0x13d: {  	[tilespmem:s10], [sflag:$0x2] =	stream.indirect_vreg.gather [hbm4b:s2+s3], $0x80, v8, vm0, $0xb8;
	[tilespmem:$0x14200] =	vst v63  }
0x13e: {  	s11 =	simm.s32 $0x11A00;
	v7 =	vadd.s32 v5, v7  }
0x13f: {  	[tilespmem:s11], [sflag:$0x2] =	stream.indirect_vreg.gather [hbm4b:s6+s3], $0x80, v8, vm0, $0xb8;
	[tilespmem:$0x14200] =	vst v63  }
0x140: {  	s10 =	simm.s32 $0x12200  }
0x141: {  	[tilespmem:s10], [sflag:$0x2] =	stream.indirect_vreg.gather [hbm4b:s8+s3], $0x80, v8, vm0, $0xb8;
	[tilespmem:$0x14200] =	vst v63  }
0x142: {  	s11 =	simm.s32 $0x12A00  }
0x143: {  	[tilespmem:s11], [sflag:$0x2] =	stream.indirect_vreg.gather [hbm4b:s2+s3], $0x80, v7, vm0, $0xb8;
	[tilespmem:$0x14200] =	vst v63  }
0x144: {  	s10 =	simm.s32 $0x13200  }
0x145: {  	[tilespmem:s10], [sflag:$0x2] =	stream.indirect_vreg.gather [hbm4b:s6+s3], $0x80, v7, vm0, $0xb8;
	[tilespmem:$0x14200] =	vst v63  }
0x146: {  	s11 =	simm.s32 $0x13A00  }
0x147: {  	[tilespmem:s11], [sflag:$0x2] =	stream.indirect_vreg.gather [hbm4b:s8+s3], $0x80, v7, vm0, $0xb8;
	[tilespmem:$0x14200] =	vst v63  }
0x148: {  	_ =	swait.ge [sflag:s0], $0x9000  }
0x149: {  	[sflag:s0] =	ssyncset.done $0x0  }
0x14a: {  	[sflag:s0] =	ssyncadd.s32 $0xFFFF7000;
	s0 =	rddreg [dreg:$0x8]  }
0x14b: {  	[hbm4b:s0+s3] =	stream.linear.scatter [tilespmem:s9], [sflag:$0x3], $0x9000, $0x38;
	[tilespmem:$0x14200] =	vst v63  }
0x14c: {  	_ =	swait.ge [sflag:s14], $0x9000  }
0x14d: {  	[sflag:s14] =	ssyncset.done $0x0  }
0x14e: {  	[sflag:s14] =	ssyncadd.s32 $0xFFFF7000  }
0x14f: {  	_ =	swait.ge [sflag:s7], $0x9000  }
0x150: {  	[sflag:s7] =	ssyncset.done $0x0  }
0x151: {  	[sflag:s7] =	ssyncadd.s32 $0xFFFF7000;
	s7 =	rddreg [dreg:$0x9]  }
0x152: {  	[hbm4b:s7+s3] =	stream.linear.scatter [tilespmem:s1], [sflag:$0x3], $0x9000, $0x38;
	[tilespmem:$0x14200] =	vst v63  }
0x153: {  	_ =	swait.ge [sflag:s14], $0x9000  }
0x154: {  	[sflag:s14] =	ssyncset.done $0x0  }
0x155: {  	s10 =	rddreg [dreg:$0xa];
	[sflag:s14] =	ssyncadd.s32 $0xFFFF7000  }
0x156: {  	[hbm4b:s10+s3] =	stream.linear.scatter [tilespmem:s16], [sflag:$0x3], $0xC0, $0x38;
	[tilespmem:$0x14200] =	vst v63  }
0x157: {  	_ =	swait.ge [sflag:s14], $0xC0  }
0x158: {  	s4 =	sadd.s32 $0x1, s4;
	s11 =	rddreg [dreg:$0xb]  }
0x159: {  	p0 =	sne.s32 s4, s11  }
.Ltmp1:
0x15a: {  	_ = 	snop;
	(pc) =	sbr.rel @p0 .LBB2_1-.Ltmp1, $3  }
0x15b: {  	_ =	sdelay $0x1  }
0x15c: {  	[sflag:s14] =	ssyncset.done $0x0  }
0x15d: {  	[sflag:s14] =	ssyncadd.s32 $0xFFFFFF40  }
0x15e: {  	_ =	sfence.sel $0x180000  }
0x15f: {  	[bflag:$0x0] =	sbarrier.arrive $0xFFFF  }
0x160: {  	_ =	strace $0x90000047  }
0x161: {  	s0 =	stileid.u32;
	[bflag:$0x2] =	sbarrier.arrive $0xFFFF  }
0x162: {  	p0 =	sne.s32 s0, $0x0;
	s0 =	rddreg [dreg:$0x3]  }
0x163: {  	s0 =	sadd.s32 @!p0 $0x100000, s0  }
0x164: {  	[sflag:s0] =	ssyncadd.tile.s32 @!p0 $0x1;
	_ =	shalt  }
.Lfunc_end2:
_tile_overlayer_lowered:
.L_overlay_start_2:
0x165: {  	(tag) =	ssettag $0x2  }
0x166: {  	s0 =	rddreg [dreg:$0x0];
	s2 =	stileid.u32  }
0x167: {  	s1 =	rddreg [dreg:$0x1];
	p0 =	sne.s32 s2, $0x0  }
0x168: {  	s3 =	rddreg [dreg:$0x2];
	[bflag:$0x3] =	sbarrier.arrive $0xFFFF;
	s2 =	simm.s32 @!p0 $0x1C03  }
0x169: {  	[timem:s3], [sflag:s2] =	dma.local @!p0 [hbm:s0], s1  }
0x16a: {  	s0 =	simm.s32 @!p0 $0x3  }
0x16b: {  	_ =	swait.ge @!p0 [sflag:s0], s1  }
0x16c: {  	s1 =	ssub.s32 @!p0 $0x0, s1;
	[sflag:s0] =	ssyncset.done @!p0 $0x0  }
0x16d: {  	[sflag:s0] =	ssyncadd.s32 @!p0 s1  }
0x16e: {  	[bflag:$0x3] =	sbarrier.arrive $0xFFFF  }
0x16f: {  	_ =	shalt  }

</sc_bundles>
